<compile_context>
chip_gen: v7x
topology: tpu7x:2x2x1
jax: 0.10.2.dev20260603
libtpu: 0.0.44.dev20260713+nightly
codegen_flags: <defaults>
</compile_context>

<pallas_src>
import functools

import jax
import jax.numpy as jnp
from jax import lax
from jax.experimental import pallas as pl
from jax.experimental.pallas import tpu as pltpu
from jax.experimental.pallas import tpu_sc as plsc

N = 10000
NNZ = 320000
D = 128
H = 4
CPH = 32
ROW = 144
BLK = 2000
GRID = N // BLK

NCORES = 2
NSUB = 16
CH = 80
IDX_ROWS = NNZ // CH
TILE_IDX_ROWS = IDX_ROWS // (NCORES * NSUB)
ROWS_PER_TILE = N // NSUB


def _tc1_body(x_ref, attr_ref, wnt_ref, wet_ref, ql_ref, qr_ref, e4t_ref,
              ef_ref, a0_ref, slx_ref, srx_ref):
    nf = jnp.dot(x_ref[...], wnt_ref[...], preferred_element_type=jnp.float32)
    ef = jnp.dot(attr_ref[...], wet_ref[...], preferred_element_type=jnp.float32)
    alx = jnp.dot(nf, ql_ref[...], preferred_element_type=jnp.float32)
    arx = jnp.dot(ef, qr_ref[...], preferred_element_type=jnp.float32)
    slx = jnp.exp(alx)
    srx = jnp.exp(arx)
    sl4 = jnp.dot(slx, e4t_ref[...], preferred_element_type=jnp.float32) * (1.0 / CPH)
    ef_ref[...] = ef
    a0_ref[...] = jnp.concatenate(
        [slx * nf, sl4, jnp.zeros((BLK, ROW - D - H), jnp.float32)], axis=1)
    slx_ref[...] = slx
    srx_ref[...] = srx


def _tc2_body(u0p_ref, srx_ref, ef_ref, e4_ref, a1_ref):
    u0 = u0p_ref[0] + u0p_ref[1]
    srx = srx_ref[...]
    s0x = jnp.dot(u0[:, D:D + H], e4_ref[...], preferred_element_type=jnp.float32)
    inv = 1.0 / (srx * s0x + 1e-16)
    ea = srx * u0[:, :D] * inv + ef_ref[...]
    a1_ref[...] = srx * ea * inv


def _tc3_body(v0p_ref, slx_ref, b_ref, out_ref):
    out_ref[...] = slx_ref[...] * (v0p_ref[0] + v0p_ref[1]) + b_ref[...]


def _rows(block_cols):
    return pl.BlockSpec((BLK, block_cols), lambda i: (i, 0))


def _full(shape):
    return pl.BlockSpec(shape, lambda i: tuple(0 for _ in shape))


def _make_sc_segsum(row):
    assert TILE_IDX_ROWS % 2 == 1

    @functools.partial(
        pl.kernel,
        out_type=jax.ShapeDtypeStruct((NCORES, N, row), jnp.float32),
        mesh=plsc.VectorSubcoreMesh(core_axis_name="c", subcore_axis_name="s",
                                    num_cores=NCORES, num_subcores=NSUB),
        scratch_types=[
            pltpu.VMEM((2, CH), jnp.int32),
            pltpu.VMEM((2, CH), jnp.int32),
            pltpu.VMEM((CH, row), jnp.float32),
            pltpu.VMEM((CH, row), jnp.float32),
            pltpu.VMEM_SHARED((N, row), jnp.float32),
            pltpu.SemaphoreType.DMA,
            pltpu.SemaphoreType.DMA,
            pltpu.SemaphoreType.DMA,
            pltpu.SemaphoreType.DMA,
        ],
        compiler_params=pltpu.CompilerParams(use_tc_tiling_on_sc=False),
    )
    def _sc(table_ref, idx_ref, z_ref, out_ref,
            ib0, ib1, rows0, rows1, acc_sh, gsem0, gsem1, isem0, isem1):
        cid = lax.axis_index("c")
        sid = lax.axis_index("s")
        r0 = sid * ROWS_PER_TILE
        base = cid * (IDX_ROWS // NCORES) + sid * TILE_IDX_ROWS
        pltpu.async_copy(idx_ref.at[base], ib0, isem0)
        pltpu.async_copy(idx_ref.at[base + 1], ib1, isem1)
        pltpu.sync_copy(z_ref.at[pl.ds(r0, ROWS_PER_TILE)],
                        acc_sh.at[pl.ds(r0, ROWS_PER_TILE)])
        plsc.subcore_barrier()

        pltpu.make_async_copy(idx_ref.at[base], ib0, isem0).wait()
        pltpu.async_copy(table_ref.at[ib0.at[0]], rows0, gsem0)

        last = TILE_IDX_ROWS - 1

        @pl.loop(0, last, step=2)
        def _(i):
            pltpu.make_async_copy(idx_ref.at[base + i + 1], ib1, isem1).wait()
            pltpu.async_copy(table_ref.at[ib1.at[0]], rows1, gsem1)
            pltpu.make_async_copy(table_ref.at[ib0.at[0]], rows0, gsem0).wait()
            pltpu.sync_copy(rows0, acc_sh.at[ib0.at[1]], add=True)
            pltpu.async_copy(idx_ref.at[base + i + 2], ib0, isem0)
            pltpu.make_async_copy(idx_ref.at[base + i + 2], ib0, isem0).wait()
            pltpu.async_copy(table_ref.at[ib0.at[0]], rows0, gsem0)
            pltpu.make_async_copy(table_ref.at[ib1.at[0]], rows1, gsem1).wait()
            pltpu.sync_copy(rows1, acc_sh.at[ib1.at[1]], add=True)

            @pl.when(i + 3 < TILE_IDX_ROWS)
            def _():
                pltpu.async_copy(idx_ref.at[base + i + 3], ib1, isem1)

        pltpu.make_async_copy(table_ref.at[ib0.at[0]], rows0, gsem0).wait()
        pltpu.sync_copy(rows0, acc_sh.at[ib0.at[1]], add=True)

        plsc.subcore_barrier()
        pltpu.sync_copy(acc_sh.at[pl.ds(r0, ROWS_PER_TILE)],
                        out_ref.at[cid, pl.ds(r0, ROWS_PER_TILE)])

    return _sc


_sc_segsum_a = _make_sc_segsum(ROW)
_sc_segsum_b = _make_sc_segsum(D)


def kernel(x, hyperedge_index, hyperedge_attr, W_node, W_edge, attn_l, attn_r, bias):
    f32 = jnp.float32
    n_idx = hyperedge_index[0].astype(jnp.int32).reshape(IDX_ROWS, 1, CH)
    e_idx = hyperedge_index[1].astype(jnp.int32).reshape(IDX_ROWS, 1, CH)
    idx_ne = jnp.concatenate([n_idx, e_idx], axis=1)
    idx_en = jnp.concatenate([e_idx, n_idx], axis=1)
    wnt = W_node.T.astype(f32)
    wet = W_edge.T.astype(f32)
    blockmask = jnp.kron(jnp.eye(H, dtype=f32), jnp.ones((CPH, CPH), f32))
    ql = attn_l.reshape(D, 1) * blockmask
    qr = attn_r.reshape(D, 1) * blockmask
    e4 = jnp.kron(jnp.eye(H, dtype=f32), jnp.ones((1, CPH), f32))
    e4t = e4.T
    ztab_a = jnp.zeros((N, ROW), f32)
    ztab_b = jnp.zeros((N, D), f32)
    b2 = bias.reshape(1, D).astype(f32)

    ef, a0, slx, srx = pl.pallas_call(
        _tc1_body,
        grid=(GRID,),
        in_specs=[_rows(D), _rows(16), _full((D, D)), _full((16, D)),
                  _full((D, D)), _full((D, D)), _full((D, H))],
        out_specs=[_rows(D), _rows(ROW), _rows(D), _rows(D)],
        out_shape=[jax.ShapeDtypeStruct((N, D), f32),
                   jax.ShapeDtypeStruct((N, ROW), f32),
                   jax.ShapeDtypeStruct((N, D), f32),
                   jax.ShapeDtypeStruct((N, D), f32)],
    )(x, hyperedge_attr, wnt, wet, ql, qr, e4t)

    u0p = _sc_segsum_a(a0, idx_ne, ztab_a)

    a1 = pl.pallas_call(
        _tc2_body,
        grid=(GRID,),
        in_specs=[pl.BlockSpec((NCORES, BLK, ROW), lambda i: (0, i, 0)),
                  _rows(D), _rows(D), _full((H, D))],
        out_specs=_rows(D),
        out_shape=jax.ShapeDtypeStruct((N, D), f32),
    )(u0p, srx, ef, e4)

    v0p = _sc_segsum_b(a1, idx_en, ztab_b)

    out = pl.pallas_call(
        _tc3_body,
        grid=(GRID,),
        in_specs=[pl.BlockSpec((NCORES, BLK, D), lambda i: (0, i, 0)),
                  _rows(D), _full((1, D))],
        out_specs=_rows(D),
        out_shape=jax.ShapeDtypeStruct((N, D), f32),
    )(v0p, slx, b2)
    return out

# --- scband reference (transcript-rebuilt; emitter-appended) ---
"""Pipeline reference for scband-custom-hypergraph-conv-25718264168628 (READ-ONLY COPY).

The authoritative reference and input builder live on the scoring server;
editing this copy changes nothing except your own understanding.
"""

import jax, jax.numpy as jnp
import numpy as np

N_NODES = 10000
N_EDGES = 10000
NNZ = 320000
NODE_DIM = 128
EDGE_DIM = 16
HEADS = 4
OUT_CH = 32
NEG_SLOPE = 0.2


def setup_inputs(seed: int = 0) -> dict:
    key = jax.random.key(seed)
    ks = jax.random.split(key, 8)
    x = jax.random.normal(ks[0], (N_NODES, NODE_DIM), dtype=jnp.float32)
    hyperedge_index = jax.random.randint(ks[1], (2, NNZ), 0, N_NODES).astype(jnp.int64)
    hyperedge_attr = jax.random.normal(ks[2], (N_EDGES, EDGE_DIM), dtype=jnp.float32)
    # learned params (xavier-like)
    W_node = jax.random.normal(ks[3], (HEADS * OUT_CH, NODE_DIM), dtype=jnp.float32) * (2.0 / (NODE_DIM + HEADS * OUT_CH)) ** 0.5
    W_edge = jax.random.normal(ks[4], (HEADS * OUT_CH, EDGE_DIM), dtype=jnp.float32) * (2.0 / (EDGE_DIM + HEADS * OUT_CH)) ** 0.5
    attn_l = jax.random.normal(ks[5], (1, HEADS, OUT_CH), dtype=jnp.float32) * (2.0 / (HEADS + OUT_CH)) ** 0.5
    attn_r = jax.random.normal(ks[6], (1, HEADS, OUT_CH), dtype=jnp.float32) * (2.0 / (HEADS + OUT_CH)) ** 0.5
    bias = jnp.zeros((HEADS * OUT_CH,), dtype=jnp.float32)
    return {"x": x, "hyperedge_index": hyperedge_index, "hyperedge_attr": hyperedge_attr,
            "W_node": W_node, "W_edge": W_edge, "attn_l": attn_l, "attn_r": attn_r, "bias": bias}


def _pyg_softmax(alpha, seg_ids, num_segments):
    amax = jax.ops.segment_max(alpha, seg_ids, num_segments=num_segments)
    ex = jnp.exp(alpha - amax[seg_ids])
    esum = jax.ops.segment_sum(ex, seg_ids, num_segments=num_segments)
    return ex / (esum[seg_ids] + 1e-16)


def reference(x, hyperedge_index, hyperedge_attr, W_node, W_edge, attn_l, attn_r, bias):
    num_nodes = x.shape[0]
    num_edges = hyperedge_attr.shape[0]  # indices constructed so max(edge_idx)+1 == N_EDGES
    node_idx = hyperedge_index[0]
    edge_idx = hyperedge_index[1]
    node_feats = (x @ W_node.T).reshape(num_nodes, HEADS, OUT_CH)
    edge_feats = (hyperedge_attr @ W_edge.T).reshape(num_edges, HEADS, OUT_CH)
    alpha_l = (node_feats * attn_l).sum(axis=-1)  # [N, H]
    alpha_r = (edge_feats * attn_r).sum(axis=-1)  # [E, H]
    alpha = alpha_l[node_idx] + alpha_r[edge_idx]  # [nnz, H]
    alpha = _pyg_softmax(alpha, edge_idx, num_edges)
    alpha = jax.nn.leaky_relu(alpha, negative_slope=NEG_SLOPE)
    # dropout p=0.0 -> identity
    m_node2edge = node_feats[node_idx] * alpha[..., None]
    edge_aggr = jax.ops.segment_sum(m_node2edge, edge_idx, num_segments=num_edges)
    edge_aggr = edge_aggr + edge_feats
    m_edge2node = edge_aggr[edge_idx] * alpha[..., None]
    node_aggr = jax.ops.segment_sum(m_edge2node, node_idx, num_segments=num_nodes)
    out = node_aggr.reshape(num_nodes, HEADS * OUT_CH) + bias
    return out

if __name__ == "__main__":
    import jax
    _d = setup_inputs()
    print(jax.jit(kernel)(*tuple(_d.values())))

</pallas_src>

<mosaic_0001>
#map = affine_map<(d0, d1) -> (0, 0)>
#map1 = affine_map<(d0, d1) -> (0, 0, 0)>
module attributes {stable_mosaic.version = 14 : i64} {
  func.func @_sc(%arg0: i32, %arg1: i32, %arg2: memref<10000x144xf32, #tpu.memory_space<hbm>>, %arg3: memref<4000x2x80xi32, #tpu.memory_space<hbm>>, %arg4: memref<10000x144xf32, #tpu.memory_space<hbm>>, %arg5: memref<2x10000x144xf32, #tpu.memory_space<hbm>>, %arg6: memref<2x80xi32, #tpu.memory_space<vmem>>, %arg7: memref<2x80xi32, #tpu.memory_space<vmem>>, %arg8: memref<80x144xf32, #tpu.memory_space<vmem>>, %arg9: memref<80x144xf32, #tpu.memory_space<vmem>>, %arg10: memref<10000x144xf32, #tpu.memory_space<vmem_shared>>, %arg11: memref<!tpu.dma_semaphore, #tpu.memory_space<semaphore_mem>>, %arg12: memref<!tpu.dma_semaphore, #tpu.memory_space<semaphore_mem>>, %arg13: memref<!tpu.dma_semaphore, #tpu.memory_space<semaphore_mem>>, %arg14: memref<!tpu.dma_semaphore, #tpu.memory_space<semaphore_mem>>) attributes {dimension_semantics = [#tpu.dimension_semantics<core_parallel>, #tpu.dimension_semantics<subcore_parallel>], iteration_bounds = array<i64: 2, 16>, scalar_prefetch = 0 : i64, scratch_operands = 9 : i64, tpu.core_type = #tpu.core_type<sc_vector_subcore>, window_params = [{transform_indices = #map}, {transform_indices = #map1}, {transform_indices = #map}, {transform_indices = #map1}]} {
    %mul3A = arith.constant 625 : i32
    %mul3A_0 = arith.muli %arg1, %mul3A : i32
    %mul3A_1 = arith.constant 2000 : i32
    %mul3A_2 = arith.muli %arg0, %mul3A_1 : i32
    %mul3A_3 = arith.constant 125 : i32
    %mul3A_4 = arith.muli %arg1, %mul3A_3 : i32
    %add3A = arith.addi %mul3A_2, %mul3A_4 : i32
    %dma_start3A = arith.constant 0 : i32
    %dma_start3A_5 = arith.constant 0 : i32
    %dma_start3A_6 = tpu.memref_slice %arg3[%add3A, %dma_start3A, %dma_start3A_5] : memref<4000x2x80xi32, #tpu.memory_space<hbm>> -> memref<1x2x80xi32, #tpu.memory_space<hbm>>
    %dma_start3A_7 = tpu.memref_squeeze %dma_start3A_6 : memref<1x2x80xi32, #tpu.memory_space<hbm>> -> memref<2x80xi32, #tpu.memory_space<hbm>>
    %dma_start3A_8 = arith.constant 0 : i32
    %dma_start3A_9 = arith.constant 0 : i32
    %dma_start3A_10 = tpu.memref_slice %arg3[%add3A, %dma_start3A_8, %dma_start3A_9] : memref<4000x2x80xi32, #tpu.memory_space<hbm>> -> memref<1x2x80xi32, #tpu.memory_space<hbm>>
    %dma_start3A_11 = tpu.memref_squeeze %dma_start3A_10 : memref<1x2x80xi32, #tpu.memory_space<hbm>> -> memref<2x80xi32, #tpu.memory_space<hbm>>
    tpu.enqueue_dma source(%dma_start3A_11 : memref<2x80xi32, #tpu.memory_space<hbm>>) target(%arg6 : memref<2x80xi32, #tpu.memory_space<vmem>>) target_semaphore(%arg13 : memref<!tpu.dma_semaphore, #tpu.memory_space<semaphore_mem>>)
    %add3A_12 = arith.constant 1 : i32
    %add3A_13 = arith.addi %add3A, %add3A_12 : i32
    %dma_start3A_14 = arith.constant 0 : i32
    %dma_start3A_15 = arith.constant 0 : i32
    %dma_start3A_16 = tpu.memref_slice %arg3[%add3A_13, %dma_start3A_14, %dma_start3A_15] : memref<4000x2x80xi32, #tpu.memory_space<hbm>> -> memref<1x2x80xi32, #tpu.memory_space<hbm>>
    %dma_start3A_17 = tpu.memref_squeeze %dma_start3A_16 : memref<1x2x80xi32, #tpu.memory_space<hbm>> -> memref<2x80xi32, #tpu.memory_space<hbm>>
    %dma_start3A_18 = arith.constant 0 : i32
    %dma_start3A_19 = arith.constant 0 : i32
    %dma_start3A_20 = tpu.memref_slice %arg3[%add3A_13, %dma_start3A_18, %dma_start3A_19] : memref<4000x2x80xi32, #tpu.memory_space<hbm>> -> memref<1x2x80xi32, #tpu.memory_space<hbm>>
    %dma_start3A_21 = tpu.memref_squeeze %dma_start3A_20 : memref<1x2x80xi32, #tpu.memory_space<hbm>> -> memref<2x80xi32, #tpu.memory_space<hbm>>
    tpu.enqueue_dma source(%dma_start3A_21 : memref<2x80xi32, #tpu.memory_space<hbm>>) target(%arg7 : memref<2x80xi32, #tpu.memory_space<vmem>>) target_semaphore(%arg14 : memref<!tpu.dma_semaphore, #tpu.memory_space<semaphore_mem>>)
    "tpu.region"() ({
      %run_scoped3A_48 = tpu.sem_alloc : memref<!tpu.dma_semaphore, #tpu.memory_space<semaphore_mem>>
      %dma_start3A_49 = arith.constant 0 : i32
      %dma_start3A_50 = tpu.memref_slice %arg10[%mul3A_0, %dma_start3A_49] : memref<10000x144xf32, #tpu.memory_space<vmem_shared>> -> memref<625x144xf32, #tpu.memory_space<vmem_shared>>
      %dma_start3A_51 = arith.constant 0 : i32
      %dma_start3A_52 = tpu.memref_slice %arg4[%mul3A_0, %dma_start3A_51] : memref<10000x144xf32, #tpu.memory_space<hbm>> -> memref<625x144xf32, #tpu.memory_space<hbm>>
      tpu.enqueue_dma source(%dma_start3A_52 : memref<625x144xf32, #tpu.memory_space<hbm>>) target(%dma_start3A_50 : memref<625x144xf32, #tpu.memory_space<vmem_shared>>) target_semaphore(%run_scoped3A_48 : memref<!tpu.dma_semaphore, #tpu.memory_space<semaphore_mem>>)
      %dma_wait3A_53 = arith.constant 0 : i32
      %dma_wait3A_54 = tpu.memref_slice %arg10[%mul3A_0, %dma_wait3A_53] : memref<10000x144xf32, #tpu.memory_space<vmem_shared>> -> memref<625x144xf32, #tpu.memory_space<vmem_shared>>
      %dma_wait3A_55 = arith.constant 0 : i32
      %dma_wait3A_56 = tpu.memref_slice %arg4[%mul3A_0, %dma_wait3A_55] : memref<10000x144xf32, #tpu.memory_space<hbm>> -> memref<625x144xf32, #tpu.memory_space<hbm>>
      tpu.wait_dma2 semaphore(%run_scoped3A_48 : memref<!tpu.dma_semaphore, #tpu.memory_space<semaphore_mem>>) src(%dma_wait3A_56 : memref<625x144xf32, #tpu.memory_space<hbm>>) dst(%dma_wait3A_54 : memref<625x144xf32, #tpu.memory_space<vmem_shared>>)
      tpu.yield
    }) : () -> ()
    %barrier3A = arith.constant 0 : index
    tpu.barrier barrier_id(%barrier3A)
    %dma_wait3A = arith.constant 0 : i32
    %dma_wait3A_22 = arith.constant 0 : i32
    %dma_wait3A_23 = tpu.memref_slice %arg3[%add3A, %dma_wait3A, %dma_wait3A_22] : memref<4000x2x80xi32, #tpu.memory_space<hbm>> -> memref<1x2x80xi32, #tpu.memory_space<hbm>>
    %dma_wait3A_24 = tpu.memref_squeeze %dma_wait3A_23 : memref<1x2x80xi32, #tpu.memory_space<hbm>> -> memref<2x80xi32, #tpu.memory_space<hbm>>
    %dma_wait3A_25 = arith.constant 0 : i32
    %dma_wait3A_26 = arith.constant 0 : i32
    %dma_wait3A_27 = tpu.memref_slice %arg3[%add3A, %dma_wait3A_25, %dma_wait3A_26] : memref<4000x2x80xi32, #tpu.memory_space<hbm>> -> memref<1x2x80xi32, #tpu.memory_space<hbm>>
    %dma_wait3A_28 = tpu.memref_squeeze %dma_wait3A_27 : memref<1x2x80xi32, #tpu.memory_space<hbm>> -> memref<2x80xi32, #tpu.memory_space<hbm>>
    tpu.wait_dma2 semaphore(%arg13 : memref<!tpu.dma_semaphore, #tpu.memory_space<semaphore_mem>>) src(%dma_wait3A_28 : memref<2x80xi32, #tpu.memory_space<hbm>>) dst(%arg6 : memref<2x80xi32, #tpu.memory_space<vmem>>)
    %dma_start3A_29 = arith.constant 0 : i32
    %dma_start3A_30 = arith.constant 0 : i32
    %dma_start3A_31 = tpu.memref_slice %arg6[%dma_start3A_29, %dma_start3A_30] : memref<2x80xi32, #tpu.memory_space<vmem>> -> memref<1x80xi32, #tpu.memory_space<vmem>>
    %dma_start3A_32 = tpu.memref_squeeze %dma_start3A_31 : memref<1x80xi32, #tpu.memory_space<vmem>> -> memref<80xi32, #tpu.memory_space<vmem>>
    %dma_start3A_33 = arith.constant 0 : i32
    %dma_start3A_34 = arith.constant 0 : i32
    %dma_start3A_35 = tpu.memref_slice %arg2[%dma_start3A_33, %dma_start3A_34] : memref<10000x144xf32, #tpu.memory_space<hbm>> -> memref<10000x144xf32, #tpu.memory_space<hbm>>
    tpu.enqueue_indirect_dma source(%dma_start3A_35 : memref<10000x144xf32, #tpu.memory_space<hbm>>) target(%arg8 : memref<80x144xf32, #tpu.memory_space<vmem>>) offsets(%dma_start3A_32 : memref<80xi32, #tpu.memory_space<vmem>>) semaphore(%arg11 : memref<!tpu.dma_semaphore, #tpu.memory_space<semaphore_mem>>)
    %scan3A = arith.constant 0 : i32
    %scan3A_36 = arith.constant 62 : i32
    %scan3A_37 = arith.addi %scan3A, %scan3A_36 : i32
    %scan3A_38 = arith.constant 1 : i32
    scf.for %scan3A_48 = %scan3A to %scan3A_37 step %scan3A_38  : i32 {
      %mul3A_49 = arith.constant 2 : i32
      %mul3A_50 = arith.muli %scan3A_48, %mul3A_49 : i32
      %add3A_51 = arith.constant 0 : i32
      %add3A_52 = arith.addi %add3A_51, %mul3A_50 : i32
      %add3A_53 = arith.addi %add3A, %add3A_52 : i32
      %add3A_54 = arith.constant 1 : i32
      %add3A_55 = arith.addi %add3A_53, %add3A_54 : i32
      %dma_wait3A_56 = arith.constant 0 : i32
      %dma_wait3A_57 = arith.constant 0 : i32
      %dma_wait3A_58 = tpu.memref_slice %arg3[%add3A_55, %dma_wait3A_56, %dma_wait3A_57] : memref<4000x2x80xi32, #tpu.memory_space<hbm>> -> memref<1x2x80xi32, #tpu.memory_space<hbm>>
      %dma_wait3A_59 = tpu.memref_squeeze %dma_wait3A_58 : memref<1x2x80xi32, #tpu.memory_space<hbm>> -> memref<2x80xi32, #tpu.memory_space<hbm>>
      %dma_wait3A_60 = arith.constant 0 : i32
      %dma_wait3A_61 = arith.constant 0 : i32
      %dma_wait3A_62 = tpu.memref_slice %arg3[%add3A_55, %dma_wait3A_60, %dma_wait3A_61] : memref<4000x2x80xi32, #tpu.memory_space<hbm>> -> memref<1x2x80xi32, #tpu.memory_space<hbm>>
      %dma_wait3A_63 = tpu.memref_squeeze %dma_wait3A_62 : memref<1x2x80xi32, #tpu.memory_space<hbm>> -> memref<2x80xi32, #tpu.memory_space<hbm>>
      tpu.wait_dma2 semaphore(%arg14 : memref<!tpu.dma_semaphore, #tpu.memory_space<semaphore_mem>>) src(%dma_wait3A_63 : memref<2x80xi32, #tpu.memory_space<hbm>>) dst(%arg7 : memref<2x80xi32, #tpu.memory_space<vmem>>)
      %dma_start3A_64 = arith.constant 0 : i32
      %dma_start3A_65 = arith.constant 0 : i32
      %dma_start3A_66 = tpu.memref_slice %arg7[%dma_start3A_64, %dma_start3A_65] : memref<2x80xi32, #tpu.memory_space<vmem>> -> memref<1x80xi32, #tpu.memory_space<vmem>>
      %dma_start3A_67 = tpu.memref_squeeze %dma_start3A_66 : memref<1x80xi32, #tpu.memory_space<vmem>> -> memref<80xi32, #tpu.memory_space<vmem>>
      %dma_start3A_68 = arith.constant 0 : i32
      %dma_start3A_69 = arith.constant 0 : i32
      %dma_start3A_70 = tpu.memref_slice %arg2[%dma_start3A_68, %dma_start3A_69] : memref<10000x144xf32, #tpu.memory_space<hbm>> -> memref<10000x144xf32, #tpu.memory_space<hbm>>
      tpu.enqueue_indirect_dma source(%dma_start3A_70 : memref<10000x144xf32, #tpu.memory_space<hbm>>) target(%arg9 : memref<80x144xf32, #tpu.memory_space<vmem>>) offsets(%dma_start3A_67 : memref<80xi32, #tpu.memory_space<vmem>>) semaphore(%arg12 : memref<!tpu.dma_semaphore, #tpu.memory_space<semaphore_mem>>)
      %dma_wait3A_71 = arith.constant 0 : i32
      %dma_wait3A_72 = arith.constant 0 : i32
      %dma_wait3A_73 = tpu.memref_slice %arg6[%dma_wait3A_71, %dma_wait3A_72] : memref<2x80xi32, #tpu.memory_space<vmem>> -> memref<1x80xi32, #tpu.memory_space<vmem>>
      %dma_wait3A_74 = tpu.memref_squeeze %dma_wait3A_73 : memref<1x80xi32, #tpu.memory_space<vmem>> -> memref<80xi32, #tpu.memory_space<vmem>>
      %dma_wait3A_75 = arith.constant 0 : i32
      %dma_wait3A_76 = arith.constant 0 : i32
      %dma_wait3A_77 = tpu.memref_slice %arg2[%dma_wait3A_75, %dma_wait3A_76] : memref<10000x144xf32, #tpu.memory_space<hbm>> -> memref<10000x144xf32, #tpu.memory_space<hbm>>
      tpu.wait_indirect_dma semaphore(%arg11 : memref<!tpu.dma_semaphore, #tpu.memory_space<semaphore_mem>>) src(%dma_wait3A_77 : memref<10000x144xf32, #tpu.memory_space<hbm>>) dst(%arg8 : memref<80x144xf32, #tpu.memory_space<vmem>>)
      %run_scoped3A_78 = arith.constant 1 : i32
      "tpu.region"() ({
        %run_scoped3A_120 = tpu.sem_alloc : memref<!tpu.dma_semaphore, #tpu.memory_space<semaphore_mem>>
        %dma_start3A_121 = arith.constant 0 : i32
        %dma_start3A_122 = tpu.memref_slice %arg6[%run_scoped3A_78, %dma_start3A_121] : memref<2x80xi32, #tpu.memory_space<vmem>> -> memref<1x80xi32, #tpu.memory_space<vmem>>
        %dma_start3A_123 = tpu.memref_squeeze %dma_start3A_122 : memref<1x80xi32, #tpu.memory_space<vmem>> -> memref<80xi32, #tpu.memory_space<vmem>>
        %dma_start3A_124 = arith.constant 0 : i32
        %dma_start3A_125 = arith.constant 0 : i32
        %dma_start3A_126 = tpu.memref_slice %arg10[%dma_start3A_124, %dma_start3A_125] : memref<10000x144xf32, #tpu.memory_space<vmem_shared>> -> memref<10000x144xf32, #tpu.memory_space<vmem_shared>>
        tpu.enqueue_indirect_dma source(%arg8 : memref<80x144xf32, #tpu.memory_space<vmem>>) target(%dma_start3A_126 : memref<10000x144xf32, #tpu.memory_space<vmem_shared>>) offsets(%dma_start3A_123 : memref<80xi32, #tpu.memory_space<vmem>>) semaphore(%run_scoped3A_120 : memref<!tpu.dma_semaphore, #tpu.memory_space<semaphore_mem>>) {add = true}
        %dma_wait3A_127 = arith.constant 0 : i32
        %dma_wait3A_128 = tpu.memref_slice %arg6[%run_scoped3A_78, %dma_wait3A_127] : memref<2x80xi32, #tpu.memory_space<vmem>> -> memref<1x80xi32, #tpu.memory_space<vmem>>
        %dma_wait3A_129 = tpu.memref_squeeze %dma_wait3A_128 : memref<1x80xi32, #tpu.memory_space<vmem>> -> memref<80xi32, #tpu.memory_space<vmem>>
        %dma_wait3A_130 = arith.constant 0 : i32
        %dma_wait3A_131 = arith.constant 0 : i32
        %dma_wait3A_132 = tpu.memref_slice %arg10[%dma_wait3A_130, %dma_wait3A_131] : memref<10000x144xf32, #tpu.memory_space<vmem_shared>> -> memref<10000x144xf32, #tpu.memory_space<vmem_shared>>
        tpu.wait_indirect_dma semaphore(%run_scoped3A_120 : memref<!tpu.dma_semaphore, #tpu.memory_space<semaphore_mem>>) src(%arg8 : memref<80x144xf32, #tpu.memory_space<vmem>>) dst(%dma_wait3A_132 : memref<10000x144xf32, #tpu.memory_space<vmem_shared>>)
        tpu.yield
      }) : () -> ()
      %add3A_79 = arith.addi %add3A, %add3A_52 : i32
      %add3A_80 = arith.constant 2 : i32
      %add3A_81 = arith.addi %add3A_79, %add3A_80 : i32
      %dma_start3A_82 = arith.constant 0 : i32
      %dma_start3A_83 = arith.constant 0 : i32
      %dma_start3A_84 = tpu.memref_slice %arg3[%add3A_81, %dma_start3A_82, %dma_start3A_83] : memref<4000x2x80xi32, #tpu.memory_space<hbm>> -> memref<1x2x80xi32, #tpu.memory_space<hbm>>
      %dma_start3A_85 = tpu.memref_squeeze %dma_start3A_84 : memref<1x2x80xi32, #tpu.memory_space<hbm>> -> memref<2x80xi32, #tpu.memory_space<hbm>>
      %dma_start3A_86 = arith.constant 0 : i32
      %dma_start3A_87 = arith.constant 0 : i32
      %dma_start3A_88 = tpu.memref_slice %arg3[%add3A_81, %dma_start3A_86, %dma_start3A_87] : memref<4000x2x80xi32, #tpu.memory_space<hbm>> -> memref<1x2x80xi32, #tpu.memory_space<hbm>>
      %dma_start3A_89 = tpu.memref_squeeze %dma_start3A_88 : memref<1x2x80xi32, #tpu.memory_space<hbm>> -> memref<2x80xi32, #tpu.memory_space<hbm>>
      tpu.enqueue_dma source(%dma_start3A_89 : memref<2x80xi32, #tpu.memory_space<hbm>>) target(%arg6 : memref<2x80xi32, #tpu.memory_space<vmem>>) target_semaphore(%arg13 : memref<!tpu.dma_semaphore, #tpu.memory_space<semaphore_mem>>)
      %add3A_90 = arith.addi %add3A, %add3A_52 : i32
      %add3A_91 = arith.constant 2 : i32
      %add3A_92 = arith.addi %add3A_90, %add3A_91 : i32
      %dma_wait3A_93 = arith.constant 0 : i32
      %dma_wait3A_94 = arith.constant 0 : i32
      %dma_wait3A_95 = tpu.memref_slice %arg3[%add3A_92, %dma_wait3A_93, %dma_wait3A_94] : memref<4000x2x80xi32, #tpu.memory_space<hbm>> -> memref<1x2x80xi32, #tpu.memory_space<hbm>>
      %dma_wait3A_96 = tpu.memref_squeeze %dma_wait3A_95 : memref<1x2x80xi32, #tpu.memory_space<hbm>> -> memref<2x80xi32, #tpu.memory_space<hbm>>
      %dma_wait3A_97 = arith.constant 0 : i32
      %dma_wait3A_98 = arith.constant 0 : i32
      %dma_wait3A_99 = tpu.memref_slice %arg3[%add3A_92, %dma_wait3A_97, %dma_wait3A_98] : memref<4000x2x80xi32, #tpu.memory_space<hbm>> -> memref<1x2x80xi32, #tpu.memory_space<hbm>>
      %dma_wait3A_100 = tpu.memref_squeeze %dma_wait3A_99 : memref<1x2x80xi32, #tpu.memory_space<hbm>> -> memref<2x80xi32, #tpu.memory_space<hbm>>
      tpu.wait_dma2 semaphore(%arg13 : memref<!tpu.dma_semaphore, #tpu.memory_space<semaphore_mem>>) src(%dma_wait3A_100 : memref<2x80xi32, #tpu.memory_space<hbm>>) dst(%arg6 : memref<2x80xi32, #tpu.memory_space<vmem>>)
      %dma_start3A_101 = arith.constant 0 : i32
      %dma_start3A_102 = arith.constant 0 : i32
      %dma_start3A_103 = tpu.memref_slice %arg6[%dma_start3A_101, %dma_start3A_102] : memref<2x80xi32, #tpu.memory_space<vmem>> -> memref<1x80xi32, #tpu.memory_space<vmem>>
      %dma_start3A_104 = tpu.memref_squeeze %dma_start3A_103 : memref<1x80xi32, #tpu.memory_space<vmem>> -> memref<80xi32, #tpu.memory_space<vmem>>
      %dma_start3A_105 = arith.constant 0 : i32
      %dma_start3A_106 = arith.constant 0 : i32
      %dma_start3A_107 = tpu.memref_slice %arg2[%dma_start3A_105, %dma_start3A_106] : memref<10000x144xf32, #tpu.memory_space<hbm>> -> memref<10000x144xf32, #tpu.memory_space<hbm>>
      tpu.enqueue_indirect_dma source(%dma_start3A_107 : memref<10000x144xf32, #tpu.memory_space<hbm>>) target(%arg8 : memref<80x144xf32, #tpu.memory_space<vmem>>) offsets(%dma_start3A_104 : memref<80xi32, #tpu.memory_space<vmem>>) semaphore(%arg11 : memref<!tpu.dma_semaphore, #tpu.memory_space<semaphore_mem>>)
      %dma_wait3A_108 = arith.constant 0 : i32
      %dma_wait3A_109 = arith.constant 0 : i32
      %dma_wait3A_110 = tpu.memref_slice %arg7[%dma_wait3A_108, %dma_wait3A_109] : memref<2x80xi32, #tpu.memory_space<vmem>> -> memref<1x80xi32, #tpu.memory_space<vmem>>
      %dma_wait3A_111 = tpu.memref_squeeze %dma_wait3A_110 : memref<1x80xi32, #tpu.memory_space<vmem>> -> memref<80xi32, #tpu.memory_space<vmem>>
      %dma_wait3A_112 = arith.constant 0 : i32
      %dma_wait3A_113 = arith.constant 0 : i32
      %dma_wait3A_114 = tpu.memref_slice %arg2[%dma_wait3A_112, %dma_wait3A_113] : memref<10000x144xf32, #tpu.memory_space<hbm>> -> memref<10000x144xf32, #tpu.memory_space<hbm>>
      tpu.wait_indirect_dma semaphore(%arg12 : memref<!tpu.dma_semaphore, #tpu.memory_space<semaphore_mem>>) src(%dma_wait3A_114 : memref<10000x144xf32, #tpu.memory_space<hbm>>) dst(%arg9 : memref<80x144xf32, #tpu.memory_space<vmem>>)
      %run_scoped3A_115 = arith.constant 1 : i32
      "tpu.region"() ({
        %run_scoped3A_120 = tpu.sem_alloc : memref<!tpu.dma_semaphore, #tpu.memory_space<semaphore_mem>>
        %dma_start3A_121 = arith.constant 0 : i32
        %dma_start3A_122 = tpu.memref_slice %arg7[%run_scoped3A_115, %dma_start3A_121] : memref<2x80xi32, #tpu.memory_space<vmem>> -> memref<1x80xi32, #tpu.memory_space<vmem>>
        %dma_start3A_123 = tpu.memref_squeeze %dma_start3A_122 : memref<1x80xi32, #tpu.memory_space<vmem>> -> memref<80xi32, #tpu.memory_space<vmem>>
        %dma_start3A_124 = arith.constant 0 : i32
        %dma_start3A_125 = arith.constant 0 : i32
        %dma_start3A_126 = tpu.memref_slice %arg10[%dma_start3A_124, %dma_start3A_125] : memref<10000x144xf32, #tpu.memory_space<vmem_shared>> -> memref<10000x144xf32, #tpu.memory_space<vmem_shared>>
        tpu.enqueue_indirect_dma source(%arg9 : memref<80x144xf32, #tpu.memory_space<vmem>>) target(%dma_start3A_126 : memref<10000x144xf32, #tpu.memory_space<vmem_shared>>) offsets(%dma_start3A_123 : memref<80xi32, #tpu.memory_space<vmem>>) semaphore(%run_scoped3A_120 : memref<!tpu.dma_semaphore, #tpu.memory_space<semaphore_mem>>) {add = true}
        %dma_wait3A_127 = arith.constant 0 : i32
        %dma_wait3A_128 = tpu.memref_slice %arg7[%run_scoped3A_115, %dma_wait3A_127] : memref<2x80xi32, #tpu.memory_space<vmem>> -> memref<1x80xi32, #tpu.memory_space<vmem>>
        %dma_wait3A_129 = tpu.memref_squeeze %dma_wait3A_128 : memref<1x80xi32, #tpu.memory_space<vmem>> -> memref<80xi32, #tpu.memory_space<vmem>>
        %dma_wait3A_130 = arith.constant 0 : i32
        %dma_wait3A_131 = arith.constant 0 : i32
        %dma_wait3A_132 = tpu.memref_slice %arg10[%dma_wait3A_130, %dma_wait3A_131] : memref<10000x144xf32, #tpu.memory_space<vmem_shared>> -> memref<10000x144xf32, #tpu.memory_space<vmem_shared>>
        tpu.wait_indirect_dma semaphore(%run_scoped3A_120 : memref<!tpu.dma_semaphore, #tpu.memory_space<semaphore_mem>>) src(%arg9 : memref<80x144xf32, #tpu.memory_space<vmem>>) dst(%dma_wait3A_132 : memref<10000x144xf32, #tpu.memory_space<vmem_shared>>)
        tpu.yield
      }) : () -> ()
      %add3A_116 = arith.constant 3 : i32
      %add3A_117 = arith.addi %add3A_52, %add3A_116 : i32
      %lt3A = arith.constant 125 : i32
      %lt3A_118 = arith.cmpi slt, %add3A_117, %lt3A : i32
      %convert_element_type3A = arith.extui %lt3A_118 : i1 to i32
      %cond3A = arith.constant 0 : i32
      %cond3A_119 = arith.cmpi ne, %convert_element_type3A, %cond3A : i32
      scf.if %cond3A_119 {
        %add3A_120 = arith.addi %add3A, %add3A_52 : i32
        %add3A_121 = arith.constant 3 : i32
        %add3A_122 = arith.addi %add3A_120, %add3A_121 : i32
        %dma_start3A_123 = arith.constant 0 : i32
        %dma_start3A_124 = arith.constant 0 : i32
        %dma_start3A_125 = tpu.memref_slice %arg3[%add3A_122, %dma_start3A_123, %dma_start3A_124] : memref<4000x2x80xi32, #tpu.memory_space<hbm>> -> memref<1x2x80xi32, #tpu.memory_space<hbm>>
        %dma_start3A_126 = tpu.memref_squeeze %dma_start3A_125 : memref<1x2x80xi32, #tpu.memory_space<hbm>> -> memref<2x80xi32, #tpu.memory_space<hbm>>
        %dma_start3A_127 = arith.constant 0 : i32
        %dma_start3A_128 = arith.constant 0 : i32
        %dma_start3A_129 = tpu.memref_slice %arg3[%add3A_122, %dma_start3A_127, %dma_start3A_128] : memref<4000x2x80xi32, #tpu.memory_space<hbm>> -> memref<1x2x80xi32, #tpu.memory_space<hbm>>
        %dma_start3A_130 = tpu.memref_squeeze %dma_start3A_129 : memref<1x2x80xi32, #tpu.memory_space<hbm>> -> memref<2x80xi32, #tpu.memory_space<hbm>>
        tpu.enqueue_dma source(%dma_start3A_130 : memref<2x80xi32, #tpu.memory_space<hbm>>) target(%arg7 : memref<2x80xi32, #tpu.memory_space<vmem>>) target_semaphore(%arg14 : memref<!tpu.dma_semaphore, #tpu.memory_space<semaphore_mem>>)
      } else {
      }
    }
    %scan3A_39 = arith.constant 62 : i32
    %dma_wait3A_40 = arith.constant 0 : i32
    %dma_wait3A_41 = arith.constant 0 : i32
    %dma_wait3A_42 = tpu.memref_slice %arg6[%dma_wait3A_40, %dma_wait3A_41] : memref<2x80xi32, #tpu.memory_space<vmem>> -> memref<1x80xi32, #tpu.memory_space<vmem>>
    %dma_wait3A_43 = tpu.memref_squeeze %dma_wait3A_42 : memref<1x80xi32, #tpu.memory_space<vmem>> -> memref<80xi32, #tpu.memory_space<vmem>>
    %dma_wait3A_44 = arith.constant 0 : i32
    %dma_wait3A_45 = arith.constant 0 : i32
    %dma_wait3A_46 = tpu.memref_slice %arg2[%dma_wait3A_44, %dma_wait3A_45] : memref<10000x144xf32, #tpu.memory_space<hbm>> -> memref<10000x144xf32, #tpu.memory_space<hbm>>
    tpu.wait_indirect_dma semaphore(%arg11 : memref<!tpu.dma_semaphore, #tpu.memory_space<semaphore_mem>>) src(%dma_wait3A_46 : memref<10000x144xf32, #tpu.memory_space<hbm>>) dst(%arg8 : memref<80x144xf32, #tpu.memory_space<vmem>>)
    %run_scoped3A = arith.constant 1 : i32
    "tpu.region"() ({
      %run_scoped3A_48 = tpu.sem_alloc : memref<!tpu.dma_semaphore, #tpu.memory_space<semaphore_mem>>
      %dma_start3A_49 = arith.constant 0 : i32
      %dma_start3A_50 = tpu.memref_slice %arg6[%run_scoped3A, %dma_start3A_49] : memref<2x80xi32, #tpu.memory_space<vmem>> -> memref<1x80xi32, #tpu.memory_space<vmem>>
      %dma_start3A_51 = tpu.memref_squeeze %dma_start3A_50 : memref<1x80xi32, #tpu.memory_space<vmem>> -> memref<80xi32, #tpu.memory_space<vmem>>
      %dma_start3A_52 = arith.constant 0 : i32
      %dma_start3A_53 = arith.constant 0 : i32
      %dma_start3A_54 = tpu.memref_slice %arg10[%dma_start3A_52, %dma_start3A_53] : memref<10000x144xf32, #tpu.memory_space<vmem_shared>> -> memref<10000x144xf32, #tpu.memory_space<vmem_shared>>
      tpu.enqueue_indirect_dma source(%arg8 : memref<80x144xf32, #tpu.memory_space<vmem>>) target(%dma_start3A_54 : memref<10000x144xf32, #tpu.memory_space<vmem_shared>>) offsets(%dma_start3A_51 : memref<80xi32, #tpu.memory_space<vmem>>) semaphore(%run_scoped3A_48 : memref<!tpu.dma_semaphore, #tpu.memory_space<semaphore_mem>>) {add = true}
      %dma_wait3A_55 = arith.constant 0 : i32
      %dma_wait3A_56 = tpu.memref_slice %arg6[%run_scoped3A, %dma_wait3A_55] : memref<2x80xi32, #tpu.memory_space<vmem>> -> memref<1x80xi32, #tpu.memory_space<vmem>>
      %dma_wait3A_57 = tpu.memref_squeeze %dma_wait3A_56 : memref<1x80xi32, #tpu.memory_space<vmem>> -> memref<80xi32, #tpu.memory_space<vmem>>
      %dma_wait3A_58 = arith.constant 0 : i32
      %dma_wait3A_59 = arith.constant 0 : i32
      %dma_wait3A_60 = tpu.memref_slice %arg10[%dma_wait3A_58, %dma_wait3A_59] : memref<10000x144xf32, #tpu.memory_space<vmem_shared>> -> memref<10000x144xf32, #tpu.memory_space<vmem_shared>>
      tpu.wait_indirect_dma semaphore(%run_scoped3A_48 : memref<!tpu.dma_semaphore, #tpu.memory_space<semaphore_mem>>) src(%arg8 : memref<80x144xf32, #tpu.memory_space<vmem>>) dst(%dma_wait3A_60 : memref<10000x144xf32, #tpu.memory_space<vmem_shared>>)
      tpu.yield
    }) : () -> ()
    %barrier3A_47 = arith.constant 0 : index
    tpu.barrier barrier_id(%barrier3A_47)
    "tpu.region"() ({
      %run_scoped3A_48 = tpu.sem_alloc : memref<!tpu.dma_semaphore, #tpu.memory_space<semaphore_mem>>
      %dma_start3A_49 = arith.constant 0 : i32
      %dma_start3A_50 = tpu.memref_slice %arg5[%arg0, %mul3A_0, %dma_start3A_49] : memref<2x10000x144xf32, #tpu.memory_space<hbm>> -> memref<1x625x144xf32, #tpu.memory_space<hbm>>
      %dma_start3A_51 = tpu.memref_squeeze %dma_start3A_50 : memref<1x625x144xf32, #tpu.memory_space<hbm>> -> memref<625x144xf32, #tpu.memory_space<hbm>>
      %dma_start3A_52 = arith.constant 0 : i32
      %dma_start3A_53 = tpu.memref_slice %arg10[%mul3A_0, %dma_start3A_52] : memref<10000x144xf32, #tpu.memory_space<vmem_shared>> -> memref<625x144xf32, #tpu.memory_space<vmem_shared>>
      tpu.enqueue_dma source(%dma_start3A_53 : memref<625x144xf32, #tpu.memory_space<vmem_shared>>) target(%dma_start3A_51 : memref<625x144xf32, #tpu.memory_space<hbm>>) target_semaphore(%run_scoped3A_48 : memref<!tpu.dma_semaphore, #tpu.memory_space<semaphore_mem>>)
      %dma_wait3A_54 = arith.constant 0 : i32
      %dma_wait3A_55 = tpu.memref_slice %arg5[%arg0, %mul3A_0, %dma_wait3A_54] : memref<2x10000x144xf32, #tpu.memory_space<hbm>> -> memref<1x625x144xf32, #tpu.memory_space<hbm>>
      %dma_wait3A_56 = tpu.memref_squeeze %dma_wait3A_55 : memref<1x625x144xf32, #tpu.memory_space<hbm>> -> memref<625x144xf32, #tpu.memory_space<hbm>>
      %dma_wait3A_57 = arith.constant 0 : i32
      %dma_wait3A_58 = tpu.memref_slice %arg10[%mul3A_0, %dma_wait3A_57] : memref<10000x144xf32, #tpu.memory_space<vmem_shared>> -> memref<625x144xf32, #tpu.memory_space<vmem_shared>>
      tpu.wait_dma2 semaphore(%run_scoped3A_48 : memref<!tpu.dma_semaphore, #tpu.memory_space<semaphore_mem>>) src(%dma_wait3A_58 : memref<625x144xf32, #tpu.memory_space<vmem_shared>>) dst(%dma_wait3A_56 : memref<625x144xf32, #tpu.memory_space<hbm>>)
      tpu.yield
    }) : () -> ()
    return
  }
}

#map = affine_map<(d0, d1) -> (0, 0)>
#map1 = affine_map<(d0, d1) -> (0, 0, 0)>
module attributes {stable_mosaic.version = 14 : i64} {
  func.func @_sc(%arg0: i32, %arg1: i32, %arg2: memref<10000x128xf32, #tpu.memory_space<hbm>>, %arg3: memref<4000x2x80xi32, #tpu.memory_space<hbm>>, %arg4: memref<10000x128xf32, #tpu.memory_space<hbm>>, %arg5: memref<2x10000x128xf32, #tpu.memory_space<hbm>>, %arg6: memref<2x80xi32, #tpu.memory_space<vmem>>, %arg7: memref<2x80xi32, #tpu.memory_space<vmem>>, %arg8: memref<80x128xf32, #tpu.memory_space<vmem>>, %arg9: memref<80x128xf32, #tpu.memory_space<vmem>>, %arg10: memref<10000x128xf32, #tpu.memory_space<vmem_shared>>, %arg11: memref<!tpu.dma_semaphore, #tpu.memory_space<semaphore_mem>>, %arg12: memref<!tpu.dma_semaphore, #tpu.memory_space<semaphore_mem>>, %arg13: memref<!tpu.dma_semaphore, #tpu.memory_space<semaphore_mem>>, %arg14: memref<!tpu.dma_semaphore, #tpu.memory_space<semaphore_mem>>) attributes {dimension_semantics = [#tpu.dimension_semantics<core_parallel>, #tpu.dimension_semantics<subcore_parallel>], iteration_bounds = array<i64: 2, 16>, scalar_prefetch = 0 : i64, scratch_operands = 9 : i64, tpu.core_type = #tpu.core_type<sc_vector_subcore>, window_params = [{transform_indices = #map}, {transform_indices = #map1}, {transform_indices = #map}, {transform_indices = #map1}]} {
    %mul3A = arith.constant 625 : i32
    %mul3A_0 = arith.muli %arg1, %mul3A : i32
    %mul3A_1 = arith.constant 2000 : i32
    %mul3A_2 = arith.muli %arg0, %mul3A_1 : i32
    %mul3A_3 = arith.constant 125 : i32
    %mul3A_4 = arith.muli %arg1, %mul3A_3 : i32
    %add3A = arith.addi %mul3A_2, %mul3A_4 : i32
    %dma_start3A = arith.constant 0 : i32
    %dma_start3A_5 = arith.constant 0 : i32
    %dma_start3A_6 = tpu.memref_slice %arg3[%add3A, %dma_start3A, %dma_start3A_5] : memref<4000x2x80xi32, #tpu.memory_space<hbm>> -> memref<1x2x80xi32, #tpu.memory_space<hbm>>
    %dma_start3A_7 = tpu.memref_squeeze %dma_start3A_6 : memref<1x2x80xi32, #tpu.memory_space<hbm>> -> memref<2x80xi32, #tpu.memory_space<hbm>>
    %dma_start3A_8 = arith.constant 0 : i32
    %dma_start3A_9 = arith.constant 0 : i32
    %dma_start3A_10 = tpu.memref_slice %arg3[%add3A, %dma_start3A_8, %dma_start3A_9] : memref<4000x2x80xi32, #tpu.memory_space<hbm>> -> memref<1x2x80xi32, #tpu.memory_space<hbm>>
    %dma_start3A_11 = tpu.memref_squeeze %dma_start3A_10 : memref<1x2x80xi32, #tpu.memory_space<hbm>> -> memref<2x80xi32, #tpu.memory_space<hbm>>
    tpu.enqueue_dma source(%dma_start3A_11 : memref<2x80xi32, #tpu.memory_space<hbm>>) target(%arg6 : memref<2x80xi32, #tpu.memory_space<vmem>>) target_semaphore(%arg13 : memref<!tpu.dma_semaphore, #tpu.memory_space<semaphore_mem>>)
    %add3A_12 = arith.constant 1 : i32
    %add3A_13 = arith.addi %add3A, %add3A_12 : i32
    %dma_start3A_14 = arith.constant 0 : i32
    %dma_start3A_15 = arith.constant 0 : i32
    %dma_start3A_16 = tpu.memref_slice %arg3[%add3A_13, %dma_start3A_14, %dma_start3A_15] : memref<4000x2x80xi32, #tpu.memory_space<hbm>> -> memref<1x2x80xi32, #tpu.memory_space<hbm>>
    %dma_start3A_17 = tpu.memref_squeeze %dma_start3A_16 : memref<1x2x80xi32, #tpu.memory_space<hbm>> -> memref<2x80xi32, #tpu.memory_space<hbm>>
    %dma_start3A_18 = arith.constant 0 : i32
    %dma_start3A_19 = arith.constant 0 : i32
    %dma_start3A_20 = tpu.memref_slice %arg3[%add3A_13, %dma_start3A_18, %dma_start3A_19] : memref<4000x2x80xi32, #tpu.memory_space<hbm>> -> memref<1x2x80xi32, #tpu.memory_space<hbm>>
    %dma_start3A_21 = tpu.memref_squeeze %dma_start3A_20 : memref<1x2x80xi32, #tpu.memory_space<hbm>> -> memref<2x80xi32, #tpu.memory_space<hbm>>
    tpu.enqueue_dma source(%dma_start3A_21 : memref<2x80xi32, #tpu.memory_space<hbm>>) target(%arg7 : memref<2x80xi32, #tpu.memory_space<vmem>>) target_semaphore(%arg14 : memref<!tpu.dma_semaphore, #tpu.memory_space<semaphore_mem>>)
    "tpu.region"() ({
      %run_scoped3A_48 = tpu.sem_alloc : memref<!tpu.dma_semaphore, #tpu.memory_space<semaphore_mem>>
      %dma_start3A_49 = arith.constant 0 : i32
      %dma_start3A_50 = tpu.memref_slice %arg10[%mul3A_0, %dma_start3A_49] : memref<10000x128xf32, #tpu.memory_space<vmem_shared>> -> memref<625x128xf32, #tpu.memory_space<vmem_shared>>
      %dma_start3A_51 = arith.constant 0 : i32
      %dma_start3A_52 = tpu.memref_slice %arg4[%mul3A_0, %dma_start3A_51] : memref<10000x128xf32, #tpu.memory_space<hbm>> -> memref<625x128xf32, #tpu.memory_space<hbm>>
      tpu.enqueue_dma source(%dma_start3A_52 : memref<625x128xf32, #tpu.memory_space<hbm>>) target(%dma_start3A_50 : memref<625x128xf32, #tpu.memory_space<vmem_shared>>) target_semaphore(%run_scoped3A_48 : memref<!tpu.dma_semaphore, #tpu.memory_space<semaphore_mem>>)
      %dma_wait3A_53 = arith.constant 0 : i32
      %dma_wait3A_54 = tpu.memref_slice %arg10[%mul3A_0, %dma_wait3A_53] : memref<10000x128xf32, #tpu.memory_space<vmem_shared>> -> memref<625x128xf32, #tpu.memory_space<vmem_shared>>
      %dma_wait3A_55 = arith.constant 0 : i32
      %dma_wait3A_56 = tpu.memref_slice %arg4[%mul3A_0, %dma_wait3A_55] : memref<10000x128xf32, #tpu.memory_space<hbm>> -> memref<625x128xf32, #tpu.memory_space<hbm>>
      tpu.wait_dma2 semaphore(%run_scoped3A_48 : memref<!tpu.dma_semaphore, #tpu.memory_space<semaphore_mem>>) src(%dma_wait3A_56 : memref<625x128xf32, #tpu.memory_space<hbm>>) dst(%dma_wait3A_54 : memref<625x128xf32, #tpu.memory_space<vmem_shared>>)
      tpu.yield
    }) : () -> ()
    %barrier3A = arith.constant 0 : index
    tpu.barrier barrier_id(%barrier3A)
    %dma_wait3A = arith.constant 0 : i32
    %dma_wait3A_22 = arith.constant 0 : i32
    %dma_wait3A_23 = tpu.memref_slice %arg3[%add3A, %dma_wait3A, %dma_wait3A_22] : memref<4000x2x80xi32, #tpu.memory_space<hbm>> -> memref<1x2x80xi32, #tpu.memory_space<hbm>>
    %dma_wait3A_24 = tpu.memref_squeeze %dma_wait3A_23 : memref<1x2x80xi32, #tpu.memory_space<hbm>> -> memref<2x80xi32, #tpu.memory_space<hbm>>
    %dma_wait3A_25 = arith.constant 0 : i32
    %dma_wait3A_26 = arith.constant 0 : i32
    %dma_wait3A_27 = tpu.memref_slice %arg3[%add3A, %dma_wait3A_25, %dma_wait3A_26] : memref<4000x2x80xi32, #tpu.memory_space<hbm>> -> memref<1x2x80xi32, #tpu.memory_space<hbm>>
    %dma_wait3A_28 = tpu.memref_squeeze %dma_wait3A_27 : memref<1x2x80xi32, #tpu.memory_space<hbm>> -> memref<2x80xi32, #tpu.memory_space<hbm>>
    tpu.wait_dma2 semaphore(%arg13 : memref<!tpu.dma_semaphore, #tpu.memory_space<semaphore_mem>>) src(%dma_wait3A_28 : memref<2x80xi32, #tpu.memory_space<hbm>>) dst(%arg6 : memref<2x80xi32, #tpu.memory_space<vmem>>)
    %dma_start3A_29 = arith.constant 0 : i32
    %dma_start3A_30 = arith.constant 0 : i32
    %dma_start3A_31 = tpu.memref_slice %arg6[%dma_start3A_29, %dma_start3A_30] : memref<2x80xi32, #tpu.memory_space<vmem>> -> memref<1x80xi32, #tpu.memory_space<vmem>>
    %dma_start3A_32 = tpu.memref_squeeze %dma_start3A_31 : memref<1x80xi32, #tpu.memory_space<vmem>> -> memref<80xi32, #tpu.memory_space<vmem>>
    %dma_start3A_33 = arith.constant 0 : i32
    %dma_start3A_34 = arith.constant 0 : i32
    %dma_start3A_35 = tpu.memref_slice %arg2[%dma_start3A_33, %dma_start3A_34] : memref<10000x128xf32, #tpu.memory_space<hbm>> -> memref<10000x128xf32, #tpu.memory_space<hbm>>
    tpu.enqueue_indirect_dma source(%dma_start3A_35 : memref<10000x128xf32, #tpu.memory_space<hbm>>) target(%arg8 : memref<80x128xf32, #tpu.memory_space<vmem>>) offsets(%dma_start3A_32 : memref<80xi32, #tpu.memory_space<vmem>>) semaphore(%arg11 : memref<!tpu.dma_semaphore, #tpu.memory_space<semaphore_mem>>)
    %scan3A = arith.constant 0 : i32
    %scan3A_36 = arith.constant 62 : i32
    %scan3A_37 = arith.addi %scan3A, %scan3A_36 : i32
    %scan3A_38 = arith.constant 1 : i32
    scf.for %scan3A_48 = %scan3A to %scan3A_37 step %scan3A_38  : i32 {
      %mul3A_49 = arith.constant 2 : i32
      %mul3A_50 = arith.muli %scan3A_48, %mul3A_49 : i32
      %add3A_51 = arith.constant 0 : i32
      %add3A_52 = arith.addi %add3A_51, %mul3A_50 : i32
      %add3A_53 = arith.addi %add3A, %add3A_52 : i32
      %add3A_54 = arith.constant 1 : i32
      %add3A_55 = arith.addi %add3A_53, %add3A_54 : i32
      %dma_wait3A_56 = arith.constant 0 : i32
      %dma_wait3A_57 = arith.constant 0 : i32
      %dma_wait3A_58 = tpu.memref_slice %arg3[%add3A_55, %dma_wait3A_56, %dma_wait3A_57] : memref<4000x2x80xi32, #tpu.memory_space<hbm>> -> memref<1x2x80xi32, #tpu.memory_space<hbm>>
      %dma_wait3A_59 = tpu.memref_squeeze %dma_wait3A_58 : memref<1x2x80xi32, #tpu.memory_space<hbm>> -> memref<2x80xi32, #tpu.memory_space<hbm>>
      %dma_wait3A_60 = arith.constant 0 : i32
      %dma_wait3A_61 = arith.constant 0 : i32
      %dma_wait3A_62 = tpu.memref_slice %arg3[%add3A_55, %dma_wait3A_60, %dma_wait3A_61] : memref<4000x2x80xi32, #tpu.memory_space<hbm>> -> memref<1x2x80xi32, #tpu.memory_space<hbm>>
      %dma_wait3A_63 = tpu.memref_squeeze %dma_wait3A_62 : memref<1x2x80xi32, #tpu.memory_space<hbm>> -> memref<2x80xi32, #tpu.memory_space<hbm>>
      tpu.wait_dma2 semaphore(%arg14 : memref<!tpu.dma_semaphore, #tpu.memory_space<semaphore_mem>>) src(%dma_wait3A_63 : memref<2x80xi32, #tpu.memory_space<hbm>>) dst(%arg7 : memref<2x80xi32, #tpu.memory_space<vmem>>)
      %dma_start3A_64 = arith.constant 0 : i32
      %dma_start3A_65 = arith.constant 0 : i32
      %dma_start3A_66 = tpu.memref_slice %arg7[%dma_start3A_64, %dma_start3A_65] : memref<2x80xi32, #tpu.memory_space<vmem>> -> memref<1x80xi32, #tpu.memory_space<vmem>>
      %dma_start3A_67 = tpu.memref_squeeze %dma_start3A_66 : memref<1x80xi32, #tpu.memory_space<vmem>> -> memref<80xi32, #tpu.memory_space<vmem>>
      %dma_start3A_68 = arith.constant 0 : i32
      %dma_start3A_69 = arith.constant 0 : i32
      %dma_start3A_70 = tpu.memref_slice %arg2[%dma_start3A_68, %dma_start3A_69] : memref<10000x128xf32, #tpu.memory_space<hbm>> -> memref<10000x128xf32, #tpu.memory_space<hbm>>
      tpu.enqueue_indirect_dma source(%dma_start3A_70 : memref<10000x128xf32, #tpu.memory_space<hbm>>) target(%arg9 : memref<80x128xf32, #tpu.memory_space<vmem>>) offsets(%dma_start3A_67 : memref<80xi32, #tpu.memory_space<vmem>>) semaphore(%arg12 : memref<!tpu.dma_semaphore, #tpu.memory_space<semaphore_mem>>)
      %dma_wait3A_71 = arith.constant 0 : i32
      %dma_wait3A_72 = arith.constant 0 : i32
      %dma_wait3A_73 = tpu.memref_slice %arg6[%dma_wait3A_71, %dma_wait3A_72] : memref<2x80xi32, #tpu.memory_space<vmem>> -> memref<1x80xi32, #tpu.memory_space<vmem>>
      %dma_wait3A_74 = tpu.memref_squeeze %dma_wait3A_73 : memref<1x80xi32, #tpu.memory_space<vmem>> -> memref<80xi32, #tpu.memory_space<vmem>>
      %dma_wait3A_75 = arith.constant 0 : i32
      %dma_wait3A_76 = arith.constant 0 : i32
      %dma_wait3A_77 = tpu.memref_slice %arg2[%dma_wait3A_75, %dma_wait3A_76] : memref<10000x128xf32, #tpu.memory_space<hbm>> -> memref<10000x128xf32, #tpu.memory_space<hbm>>
      tpu.wait_indirect_dma semaphore(%arg11 : memref<!tpu.dma_semaphore, #tpu.memory_space<semaphore_mem>>) src(%dma_wait3A_77 : memref<10000x128xf32, #tpu.memory_space<hbm>>) dst(%arg8 : memref<80x128xf32, #tpu.memory_space<vmem>>)
      %run_scoped3A_78 = arith.constant 1 : i32
      "tpu.region"() ({
        %run_scoped3A_120 = tpu.sem_alloc : memref<!tpu.dma_semaphore, #tpu.memory_space<semaphore_mem>>
        %dma_start3A_121 = arith.constant 0 : i32
        %dma_start3A_122 = tpu.memref_slice %arg6[%run_scoped3A_78, %dma_start3A_121] : memref<2x80xi32, #tpu.memory_space<vmem>> -> memref<1x80xi32, #tpu.memory_space<vmem>>
        %dma_start3A_123 = tpu.memref_squeeze %dma_start3A_122 : memref<1x80xi32, #tpu.memory_space<vmem>> -> memref<80xi32, #tpu.memory_space<vmem>>
        %dma_start3A_124 = arith.constant 0 : i32
        %dma_start3A_125 = arith.constant 0 : i32
        %dma_start3A_126 = tpu.memref_slice %arg10[%dma_start3A_124, %dma_start3A_125] : memref<10000x128xf32, #tpu.memory_space<vmem_shared>> -> memref<10000x128xf32, #tpu.memory_space<vmem_shared>>
        tpu.enqueue_indirect_dma source(%arg8 : memref<80x128xf32, #tpu.memory_space<vmem>>) target(%dma_start3A_126 : memref<10000x128xf32, #tpu.memory_space<vmem_shared>>) offsets(%dma_start3A_123 : memref<80xi32, #tpu.memory_space<vmem>>) semaphore(%run_scoped3A_120 : memref<!tpu.dma_semaphore, #tpu.memory_space<semaphore_mem>>) {add = true}
        %dma_wait3A_127 = arith.constant 0 : i32
        %dma_wait3A_128 = tpu.memref_slice %arg6[%run_scoped3A_78, %dma_wait3A_127] : memref<2x80xi32, #tpu.memory_space<vmem>> -> memref<1x80xi32, #tpu.memory_space<vmem>>
        %dma_wait3A_129 = tpu.memref_squeeze %dma_wait3A_128 : memref<1x80xi32, #tpu.memory_space<vmem>> -> memref<80xi32, #tpu.memory_space<vmem>>
        %dma_wait3A_130 = arith.constant 0 : i32
        %dma_wait3A_131 = arith.constant 0 : i32
        %dma_wait3A_132 = tpu.memref_slice %arg10[%dma_wait3A_130, %dma_wait3A_131] : memref<10000x128xf32, #tpu.memory_space<vmem_shared>> -> memref<10000x128xf32, #tpu.memory_space<vmem_shared>>
        tpu.wait_indirect_dma semaphore(%run_scoped3A_120 : memref<!tpu.dma_semaphore, #tpu.memory_space<semaphore_mem>>) src(%arg8 : memref<80x128xf32, #tpu.memory_space<vmem>>) dst(%dma_wait3A_132 : memref<10000x128xf32, #tpu.memory_space<vmem_shared>>)
        tpu.yield
      }) : () -> ()
      %add3A_79 = arith.addi %add3A, %add3A_52 : i32
      %add3A_80 = arith.constant 2 : i32
      %add3A_81 = arith.addi %add3A_79, %add3A_80 : i32
      %dma_start3A_82 = arith.constant 0 : i32
      %dma_start3A_83 = arith.constant 0 : i32
      %dma_start3A_84 = tpu.memref_slice %arg3[%add3A_81, %dma_start3A_82, %dma_start3A_83] : memref<4000x2x80xi32, #tpu.memory_space<hbm>> -> memref<1x2x80xi32, #tpu.memory_space<hbm>>
      %dma_start3A_85 = tpu.memref_squeeze %dma_start3A_84 : memref<1x2x80xi32, #tpu.memory_space<hbm>> -> memref<2x80xi32, #tpu.memory_space<hbm>>
      %dma_start3A_86 = arith.constant 0 : i32
      %dma_start3A_87 = arith.constant 0 : i32
      %dma_start3A_88 = tpu.memref_slice %arg3[%add3A_81, %dma_start3A_86, %dma_start3A_87] : memref<4000x2x80xi32, #tpu.memory_space<hbm>> -> memref<1x2x80xi32, #tpu.memory_space<hbm>>
      %dma_start3A_89 = tpu.memref_squeeze %dma_start3A_88 : memref<1x2x80xi32, #tpu.memory_space<hbm>> -> memref<2x80xi32, #tpu.memory_space<hbm>>
      tpu.enqueue_dma source(%dma_start3A_89 : memref<2x80xi32, #tpu.memory_space<hbm>>) target(%arg6 : memref<2x80xi32, #tpu.memory_space<vmem>>) target_semaphore(%arg13 : memref<!tpu.dma_semaphore, #tpu.memory_space<semaphore_mem>>)
      %add3A_90 = arith.addi %add3A, %add3A_52 : i32
      %add3A_91 = arith.constant 2 : i32
      %add3A_92 = arith.addi %add3A_90, %add3A_91 : i32
      %dma_wait3A_93 = arith.constant 0 : i32
      %dma_wait3A_94 = arith.constant 0 : i32
      %dma_wait3A_95 = tpu.memref_slice %arg3[%add3A_92, %dma_wait3A_93, %dma_wait3A_94] : memref<4000x2x80xi32, #tpu.memory_space<hbm>> -> memref<1x2x80xi32, #tpu.memory_space<hbm>>
      %dma_wait3A_96 = tpu.memref_squeeze %dma_wait3A_95 : memref<1x2x80xi32, #tpu.memory_space<hbm>> -> memref<2x80xi32, #tpu.memory_space<hbm>>
      %dma_wait3A_97 = arith.constant 0 : i32
      %dma_wait3A_98 = arith.constant 0 : i32
      %dma_wait3A_99 = tpu.memref_slice %arg3[%add3A_92, %dma_wait3A_97, %dma_wait3A_98] : memref<4000x2x80xi32, #tpu.memory_space<hbm>> -> memref<1x2x80xi32, #tpu.memory_space<hbm>>
      %dma_wait3A_100 = tpu.memref_squeeze %dma_wait3A_99 : memref<1x2x80xi32, #tpu.memory_space<hbm>> -> memref<2x80xi32, #tpu.memory_space<hbm>>
      tpu.wait_dma2 semaphore(%arg13 : memref<!tpu.dma_semaphore, #tpu.memory_space<semaphore_mem>>) src(%dma_wait3A_100 : memref<2x80xi32, #tpu.memory_space<hbm>>) dst(%arg6 : memref<2x80xi32, #tpu.memory_space<vmem>>)
      %dma_start3A_101 = arith.constant 0 : i32
      %dma_start3A_102 = arith.constant 0 : i32
      %dma_start3A_103 = tpu.memref_slice %arg6[%dma_start3A_101, %dma_start3A_102] : memref<2x80xi32, #tpu.memory_space<vmem>> -> memref<1x80xi32, #tpu.memory_space<vmem>>
      %dma_start3A_104 = tpu.memref_squeeze %dma_start3A_103 : memref<1x80xi32, #tpu.memory_space<vmem>> -> memref<80xi32, #tpu.memory_space<vmem>>
      %dma_start3A_105 = arith.constant 0 : i32
      %dma_start3A_106 = arith.constant 0 : i32
      %dma_start3A_107 = tpu.memref_slice %arg2[%dma_start3A_105, %dma_start3A_106] : memref<10000x128xf32, #tpu.memory_space<hbm>> -> memref<10000x128xf32, #tpu.memory_space<hbm>>
      tpu.enqueue_indirect_dma source(%dma_start3A_107 : memref<10000x128xf32, #tpu.memory_space<hbm>>) target(%arg8 : memref<80x128xf32, #tpu.memory_space<vmem>>) offsets(%dma_start3A_104 : memref<80xi32, #tpu.memory_space<vmem>>) semaphore(%arg11 : memref<!tpu.dma_semaphore, #tpu.memory_space<semaphore_mem>>)
      %dma_wait3A_108 = arith.constant 0 : i32
      %dma_wait3A_109 = arith.constant 0 : i32
      %dma_wait3A_110 = tpu.memref_slice %arg7[%dma_wait3A_108, %dma_wait3A_109] : memref<2x80xi32, #tpu.memory_space<vmem>> -> memref<1x80xi32, #tpu.memory_space<vmem>>
      %dma_wait3A_111 = tpu.memref_squeeze %dma_wait3A_110 : memref<1x80xi32, #tpu.memory_space<vmem>> -> memref<80xi32, #tpu.memory_space<vmem>>
      %dma_wait3A_112 = arith.constant 0 : i32
      %dma_wait3A_113 = arith.constant 0 : i32
      %dma_wait3A_114 = tpu.memref_slice %arg2[%dma_wait3A_112, %dma_wait3A_113] : memref<10000x128xf32, #tpu.memory_space<hbm>> -> memref<10000x128xf32, #tpu.memory_space<hbm>>
      tpu.wait_indirect_dma semaphore(%arg12 : memref<!tpu.dma_semaphore, #tpu.memory_space<semaphore_mem>>) src(%dma_wait3A_114 : memref<10000x128xf32, #tpu.memory_space<hbm>>) dst(%arg9 : memref<80x128xf32, #tpu.memory_space<vmem>>)
      %run_scoped3A_115 = arith.constant 1 : i32
      "tpu.region"() ({
        %run_scoped3A_120 = tpu.sem_alloc : memref<!tpu.dma_semaphore, #tpu.memory_space<semaphore_mem>>
        %dma_start3A_121 = arith.constant 0 : i32
        %dma_start3A_122 = tpu.memref_slice %arg7[%run_scoped3A_115, %dma_start3A_121] : memref<2x80xi32, #tpu.memory_space<vmem>> -> memref<1x80xi32, #tpu.memory_space<vmem>>
        %dma_start3A_123 = tpu.memref_squeeze %dma_start3A_122 : memref<1x80xi32, #tpu.memory_space<vmem>> -> memref<80xi32, #tpu.memory_space<vmem>>
        %dma_start3A_124 = arith.constant 0 : i32
        %dma_start3A_125 = arith.constant 0 : i32
        %dma_start3A_126 = tpu.memref_slice %arg10[%dma_start3A_124, %dma_start3A_125] : memref<10000x128xf32, #tpu.memory_space<vmem_shared>> -> memref<10000x128xf32, #tpu.memory_space<vmem_shared>>
        tpu.enqueue_indirect_dma source(%arg9 : memref<80x128xf32, #tpu.memory_space<vmem>>) target(%dma_start3A_126 : memref<10000x128xf32, #tpu.memory_space<vmem_shared>>) offsets(%dma_start3A_123 : memref<80xi32, #tpu.memory_space<vmem>>) semaphore(%run_scoped3A_120 : memref<!tpu.dma_semaphore, #tpu.memory_space<semaphore_mem>>) {add = true}
        %dma_wait3A_127 = arith.constant 0 : i32
        %dma_wait3A_128 = tpu.memref_slice %arg7[%run_scoped3A_115, %dma_wait3A_127] : memref<2x80xi32, #tpu.memory_space<vmem>> -> memref<1x80xi32, #tpu.memory_space<vmem>>
        %dma_wait3A_129 = tpu.memref_squeeze %dma_wait3A_128 : memref<1x80xi32, #tpu.memory_space<vmem>> -> memref<80xi32, #tpu.memory_space<vmem>>
        %dma_wait3A_130 = arith.constant 0 : i32
        %dma_wait3A_131 = arith.constant 0 : i32
        %dma_wait3A_132 = tpu.memref_slice %arg10[%dma_wait3A_130, %dma_wait3A_131] : memref<10000x128xf32, #tpu.memory_space<vmem_shared>> -> memref<10000x128xf32, #tpu.memory_space<vmem_shared>>
        tpu.wait_indirect_dma semaphore(%run_scoped3A_120 : memref<!tpu.dma_semaphore, #tpu.memory_space<semaphore_mem>>) src(%arg9 : memref<80x128xf32, #tpu.memory_space<vmem>>) dst(%dma_wait3A_132 : memref<10000x128xf32, #tpu.memory_space<vmem_shared>>)
        tpu.yield
      }) : () -> ()
      %add3A_116 = arith.constant 3 : i32
      %add3A_117 = arith.addi %add3A_52, %add3A_116 : i32
      %lt3A = arith.constant 125 : i32
      %lt3A_118 = arith.cmpi slt, %add3A_117, %lt3A : i32
      %convert_element_type3A = arith.extui %lt3A_118 : i1 to i32
      %cond3A = arith.constant 0 : i32
      %cond3A_119 = arith.cmpi ne, %convert_element_type3A, %cond3A : i32
      scf.if %cond3A_119 {
        %add3A_120 = arith.addi %add3A, %add3A_52 : i32
        %add3A_121 = arith.constant 3 : i32
        %add3A_122 = arith.addi %add3A_120, %add3A_121 : i32
        %dma_start3A_123 = arith.constant 0 : i32
        %dma_start3A_124 = arith.constant 0 : i32
        %dma_start3A_125 = tpu.memref_slice %arg3[%add3A_122, %dma_start3A_123, %dma_start3A_124] : memref<4000x2x80xi32, #tpu.memory_space<hbm>> -> memref<1x2x80xi32, #tpu.memory_space<hbm>>
        %dma_start3A_126 = tpu.memref_squeeze %dma_start3A_125 : memref<1x2x80xi32, #tpu.memory_space<hbm>> -> memref<2x80xi32, #tpu.memory_space<hbm>>
        %dma_start3A_127 = arith.constant 0 : i32
        %dma_start3A_128 = arith.constant 0 : i32
        %dma_start3A_129 = tpu.memref_slice %arg3[%add3A_122, %dma_start3A_127, %dma_start3A_128] : memref<4000x2x80xi32, #tpu.memory_space<hbm>> -> memref<1x2x80xi32, #tpu.memory_space<hbm>>
        %dma_start3A_130 = tpu.memref_squeeze %dma_start3A_129 : memref<1x2x80xi32, #tpu.memory_space<hbm>> -> memref<2x80xi32, #tpu.memory_space<hbm>>
        tpu.enqueue_dma source(%dma_start3A_130 : memref<2x80xi32, #tpu.memory_space<hbm>>) target(%arg7 : memref<2x80xi32, #tpu.memory_space<vmem>>) target_semaphore(%arg14 : memref<!tpu.dma_semaphore, #tpu.memory_space<semaphore_mem>>)
      } else {
      }
    }
    %scan3A_39 = arith.constant 62 : i32
    %dma_wait3A_40 = arith.constant 0 : i32
    %dma_wait3A_41 = arith.constant 0 : i32
    %dma_wait3A_42 = tpu.memref_slice %arg6[%dma_wait3A_40, %dma_wait3A_41] : memref<2x80xi32, #tpu.memory_space<vmem>> -> memref<1x80xi32, #tpu.memory_space<vmem>>
    %dma_wait3A_43 = tpu.memref_squeeze %dma_wait3A_42 : memref<1x80xi32, #tpu.memory_space<vmem>> -> memref<80xi32, #tpu.memory_space<vmem>>
    %dma_wait3A_44 = arith.constant 0 : i32
    %dma_wait3A_45 = arith.constant 0 : i32
    %dma_wait3A_46 = tpu.memref_slice %arg2[%dma_wait3A_44, %dma_wait3A_45] : memref<10000x128xf32, #tpu.memory_space<hbm>> -> memref<10000x128xf32, #tpu.memory_space<hbm>>
    tpu.wait_indirect_dma semaphore(%arg11 : memref<!tpu.dma_semaphore, #tpu.memory_space<semaphore_mem>>) src(%dma_wait3A_46 : memref<10000x128xf32, #tpu.memory_space<hbm>>) dst(%arg8 : memref<80x128xf32, #tpu.memory_space<vmem>>)
    %run_scoped3A = arith.constant 1 : i32
    "tpu.region"() ({
      %run_scoped3A_48 = tpu.sem_alloc : memref<!tpu.dma_semaphore, #tpu.memory_space<semaphore_mem>>
      %dma_start3A_49 = arith.constant 0 : i32
      %dma_start3A_50 = tpu.memref_slice %arg6[%run_scoped3A, %dma_start3A_49] : memref<2x80xi32, #tpu.memory_space<vmem>> -> memref<1x80xi32, #tpu.memory_space<vmem>>
      %dma_start3A_51 = tpu.memref_squeeze %dma_start3A_50 : memref<1x80xi32, #tpu.memory_space<vmem>> -> memref<80xi32, #tpu.memory_space<vmem>>
      %dma_start3A_52 = arith.constant 0 : i32
      %dma_start3A_53 = arith.constant 0 : i32
      %dma_start3A_54 = tpu.memref_slice %arg10[%dma_start3A_52, %dma_start3A_53] : memref<10000x128xf32, #tpu.memory_space<vmem_shared>> -> memref<10000x128xf32, #tpu.memory_space<vmem_shared>>
      tpu.enqueue_indirect_dma source(%arg8 : memref<80x128xf32, #tpu.memory_space<vmem>>) target(%dma_start3A_54 : memref<10000x128xf32, #tpu.memory_space<vmem_shared>>) offsets(%dma_start3A_51 : memref<80xi32, #tpu.memory_space<vmem>>) semaphore(%run_scoped3A_48 : memref<!tpu.dma_semaphore, #tpu.memory_space<semaphore_mem>>) {add = true}
      %dma_wait3A_55 = arith.constant 0 : i32
      %dma_wait3A_56 = tpu.memref_slice %arg6[%run_scoped3A, %dma_wait3A_55] : memref<2x80xi32, #tpu.memory_space<vmem>> -> memref<1x80xi32, #tpu.memory_space<vmem>>
      %dma_wait3A_57 = tpu.memref_squeeze %dma_wait3A_56 : memref<1x80xi32, #tpu.memory_space<vmem>> -> memref<80xi32, #tpu.memory_space<vmem>>
      %dma_wait3A_58 = arith.constant 0 : i32
      %dma_wait3A_59 = arith.constant 0 : i32
      %dma_wait3A_60 = tpu.memref_slice %arg10[%dma_wait3A_58, %dma_wait3A_59] : memref<10000x128xf32, #tpu.memory_space<vmem_shared>> -> memref<10000x128xf32, #tpu.memory_space<vmem_shared>>
      tpu.wait_indirect_dma semaphore(%run_scoped3A_48 : memref<!tpu.dma_semaphore, #tpu.memory_space<semaphore_mem>>) src(%arg8 : memref<80x128xf32, #tpu.memory_space<vmem>>) dst(%dma_wait3A_60 : memref<10000x128xf32, #tpu.memory_space<vmem_shared>>)
      tpu.yield
    }) : () -> ()
    %barrier3A_47 = arith.constant 0 : index
    tpu.barrier barrier_id(%barrier3A_47)
    "tpu.region"() ({
      %run_scoped3A_48 = tpu.sem_alloc : memref<!tpu.dma_semaphore, #tpu.memory_space<semaphore_mem>>
      %dma_start3A_49 = arith.constant 0 : i32
      %dma_start3A_50 = tpu.memref_slice %arg5[%arg0, %mul3A_0, %dma_start3A_49] : memref<2x10000x128xf32, #tpu.memory_space<hbm>> -> memref<1x625x128xf32, #tpu.memory_space<hbm>>
      %dma_start3A_51 = tpu.memref_squeeze %dma_start3A_50 : memref<1x625x128xf32, #tpu.memory_space<hbm>> -> memref<625x128xf32, #tpu.memory_space<hbm>>
      %dma_start3A_52 = arith.constant 0 : i32
      %dma_start3A_53 = tpu.memref_slice %arg10[%mul3A_0, %dma_start3A_52] : memref<10000x128xf32, #tpu.memory_space<vmem_shared>> -> memref<625x128xf32, #tpu.memory_space<vmem_shared>>
      tpu.enqueue_dma source(%dma_start3A_53 : memref<625x128xf32, #tpu.memory_space<vmem_shared>>) target(%dma_start3A_51 : memref<625x128xf32, #tpu.memory_space<hbm>>) target_semaphore(%run_scoped3A_48 : memref<!tpu.dma_semaphore, #tpu.memory_space<semaphore_mem>>)
      %dma_wait3A_54 = arith.constant 0 : i32
      %dma_wait3A_55 = tpu.memref_slice %arg5[%arg0, %mul3A_0, %dma_wait3A_54] : memref<2x10000x128xf32, #tpu.memory_space<hbm>> -> memref<1x625x128xf32, #tpu.memory_space<hbm>>
      %dma_wait3A_56 = tpu.memref_squeeze %dma_wait3A_55 : memref<1x625x128xf32, #tpu.memory_space<hbm>> -> memref<625x128xf32, #tpu.memory_space<hbm>>
      %dma_wait3A_57 = arith.constant 0 : i32
      %dma_wait3A_58 = tpu.memref_slice %arg10[%mul3A_0, %dma_wait3A_57] : memref<10000x128xf32, #tpu.memory_space<vmem_shared>> -> memref<625x128xf32, #tpu.memory_space<vmem_shared>>
      tpu.wait_dma2 semaphore(%run_scoped3A_48 : memref<!tpu.dma_semaphore, #tpu.memory_space<semaphore_mem>>) src(%dma_wait3A_58 : memref<625x128xf32, #tpu.memory_space<vmem_shared>>) dst(%dma_wait3A_56 : memref<625x128xf32, #tpu.memory_space<hbm>>)
      tpu.yield
    }) : () -> ()
    return
  }
}

module attributes {stable_mosaic.version = 14 : i64} {
  func.func @_tc1_body(%arg0: i32, %arg1: memref<2000x128xf32, #tpu.memory_space<vmem>>, %arg2: memref<2000x16xf32, #tpu.memory_space<vmem>>, %arg3: memref<128x128xf32, #tpu.memory_space<vmem>>, %arg4: memref<16x128xf32, #tpu.memory_space<vmem>>, %arg5: memref<128x128xf32, #tpu.memory_space<vmem>>, %arg6: memref<128x128xf32, #tpu.memory_space<vmem>>, %arg7: memref<128x4xf32, #tpu.memory_space<vmem>>, %arg8: memref<2000x128xf32, #tpu.memory_space<vmem>>, %arg9: memref<2000x144xf32, #tpu.memory_space<vmem>>, %arg10: memref<2000x128xf32, #tpu.memory_space<vmem>>, %arg11: memref<2000x128xf32, #tpu.memory_space<vmem>>) attributes {dimension_semantics = [#tpu.dimension_semantics<arbitrary>], iteration_bounds = array<i64: 5>, scalar_prefetch = 0 : i64, scratch_operands = 0 : i64, tpu.core_type = #tpu.core_type<tc>, window_params = [{transform_indices = @transform_0, window_bounds = array<i64: 2000, 128>}, {transform_indices = @transform_1, window_bounds = array<i64: 2000, 16>}, {pipeline_mode = #tpu.pipeline_mode<synchronous>, transform_indices = @transform_2, window_bounds = array<i64: 128, 128>}, {pipeline_mode = #tpu.pipeline_mode<synchronous>, transform_indices = @transform_3, window_bounds = array<i64: 16, 128>}, {pipeline_mode = #tpu.pipeline_mode<synchronous>, transform_indices = @transform_4, window_bounds = array<i64: 128, 128>}, {pipeline_mode = #tpu.pipeline_mode<synchronous>, transform_indices = @transform_5, window_bounds = array<i64: 128, 128>}, {pipeline_mode = #tpu.pipeline_mode<synchronous>, transform_indices = @transform_6, window_bounds = array<i64: 128, 4>}, {transform_indices = @transform_7, window_bounds = array<i64: 2000, 128>}, {transform_indices = @transform_8, window_bounds = array<i64: 2000, 144>}, {transform_indices = @transform_9, window_bounds = array<i64: 2000, 128>}, {transform_indices = @transform_10, window_bounds = array<i64: 2000, 128>}]} {
    %get3A = arith.constant 0 : index
    %get3A_0 = arith.constant 0 : index
    %get3A_1 = vector.load %arg1[%get3A, %get3A_0] : memref<2000x128xf32, #tpu.memory_space<vmem>>, vector<2000x128xf32>
    %get3A_2 = arith.constant 0 : index
    %get3A_3 = arith.constant 0 : index
    %get3A_4 = vector.load %arg3[%get3A_2, %get3A_3] : memref<128x128xf32, #tpu.memory_space<vmem>>, vector<128x128xf32>
    %dot_general3A = arith.constant dense<0.000000e+00> : vector<2000x128xf32>
    %dot_general3A_5 = tpu.matmul %get3A_1, %get3A_4, %dot_general3A {dimension_numbers = #tpu.dot_dimension_numbers<[1], [0], [0], [1], [0, 0, 1, 1], [], []>, transpose_lhs_hint = false} : vector<2000x128xf32>, vector<128x128xf32>, vector<2000x128xf32> -> vector<2000x128xf32>
    %get3A_6 = arith.constant 0 : index
    %get3A_7 = arith.constant 0 : index
    %get3A_8 = vector.load %arg2[%get3A_6, %get3A_7] : memref<2000x16xf32, #tpu.memory_space<vmem>>, vector<2000x16xf32>
    %get3A_9 = arith.constant 0 : index
    %get3A_10 = arith.constant 0 : index
    %get3A_11 = vector.load %arg4[%get3A_9, %get3A_10] : memref<16x128xf32, #tpu.memory_space<vmem>>, vector<16x128xf32>
    %dot_general3A_12 = arith.constant dense<0.000000e+00> : vector<2000x128xf32>
    %dot_general3A_13 = tpu.matmul %get3A_8, %get3A_11, %dot_general3A_12 {dimension_numbers = #tpu.dot_dimension_numbers<[1], [0], [0], [1], [0, 0, 1, 1], [], []>, transpose_lhs_hint = false} : vector<2000x16xf32>, vector<16x128xf32>, vector<2000x128xf32> -> vector<2000x128xf32>
    %get3A_14 = arith.constant 0 : index
    %get3A_15 = arith.constant 0 : index
    %get3A_16 = vector.load %arg5[%get3A_14, %get3A_15] : memref<128x128xf32, #tpu.memory_space<vmem>>, vector<128x128xf32>
    %dot_general3A_17 = arith.constant dense<0.000000e+00> : vector<2000x128xf32>
    %dot_general3A_18 = tpu.matmul %dot_general3A_5, %get3A_16, %dot_general3A_17 {dimension_numbers = #tpu.dot_dimension_numbers<[1], [0], [0], [1], [0, 0, 1, 1], [], []>, transpose_lhs_hint = false} : vector<2000x128xf32>, vector<128x128xf32>, vector<2000x128xf32> -> vector<2000x128xf32>
    %get3A_19 = arith.constant 0 : index
    %get3A_20 = arith.constant 0 : index
    %get3A_21 = vector.load %arg6[%get3A_19, %get3A_20] : memref<128x128xf32, #tpu.memory_space<vmem>>, vector<128x128xf32>
    %dot_general3A_22 = arith.constant dense<0.000000e+00> : vector<2000x128xf32>
    %dot_general3A_23 = tpu.matmul %dot_general3A_13, %get3A_21, %dot_general3A_22 {dimension_numbers = #tpu.dot_dimension_numbers<[1], [0], [0], [1], [0, 0, 1, 1], [], []>, transpose_lhs_hint = false} : vector<2000x128xf32>, vector<128x128xf32>, vector<2000x128xf32> -> vector<2000x128xf32>
    %exp3A = math.exp %dot_general3A_18 : vector<2000x128xf32>
    %exp3A_24 = math.exp %dot_general3A_23 : vector<2000x128xf32>
    %get3A_25 = arith.constant 0 : index
    %get3A_26 = arith.constant 0 : index
    %get3A_27 = vector.load %arg7[%get3A_25, %get3A_26] : memref<128x4xf32, #tpu.memory_space<vmem>>, vector<128x4xf32>
    %dot_general3A_28 = arith.constant dense<0.000000e+00> : vector<2000x4xf32>
    %dot_general3A_29 = tpu.matmul %exp3A, %get3A_27, %dot_general3A_28 {dimension_numbers = #tpu.dot_dimension_numbers<[1], [0], [0], [1], [0, 0, 1, 1], [], []>, transpose_lhs_hint = false} : vector<2000x128xf32>, vector<128x4xf32>, vector<2000x4xf32> -> vector<2000x4xf32>
    %mul3A = arith.constant 3.125000e-02 : f32
    %mul3A_30 = vector.broadcast %mul3A : f32 to vector<2000x4xf32>
    %mul3A_31 = arith.mulf %dot_general3A_29, %mul3A_30 : vector<2000x4xf32>
    %swap3A = arith.constant 0 : index
    %swap3A_32 = arith.constant 0 : index
    %swap3A_33 = vector.load %arg8[%swap3A, %swap3A_32] : memref<2000x128xf32, #tpu.memory_space<vmem>>, vector<2000x128xf32>
    tpu.vector_store %arg8[%swap3A, %swap3A_32], %dot_general3A_13 {strides = array<i32>} : memref<2000x128xf32, #tpu.memory_space<vmem>>, vector<2000x128xf32>,
    %mul3A_34 = arith.mulf %exp3A, %dot_general3A_5 : vector<2000x128xf32>
    %broadcast_in_dim3A = arith.constant 0.000000e+00 : f32
    %broadcast_in_dim3A_35 = vector.broadcast %broadcast_in_dim3A : f32 to vector<2000x12xf32>
    %concatenate3A = tpu.concatenate %mul3A_34, %mul3A_31, %broadcast_in_dim3A_35 in 1 : vector<2000x128xf32>, vector<2000x4xf32>, vector<2000x12xf32> -> vector<2000x144xf32>
    %swap3A_36 = arith.constant 0 : index
    %swap3A_37 = arith.constant 0 : index
    %swap3A_38 = vector.load %arg9[%swap3A_36, %swap3A_37] : memref<2000x144xf32, #tpu.memory_space<vmem>>, vector<2000x144xf32>
    tpu.vector_store %arg9[%swap3A_36, %swap3A_37], %concatenate3A {strides = array<i32>} : memref<2000x144xf32, #tpu.memory_space<vmem>>, vector<2000x144xf32>,
    %swap3A_39 = arith.constant 0 : index
    %swap3A_40 = arith.constant 0 : index
    %swap3A_41 = vector.load %arg10[%swap3A_39, %swap3A_40] : memref<2000x128xf32, #tpu.memory_space<vmem>>, vector<2000x128xf32>
    tpu.vector_store %arg10[%swap3A_39, %swap3A_40], %exp3A {strides = array<i32>} : memref<2000x128xf32, #tpu.memory_space<vmem>>, vector<2000x128xf32>,
    %swap3A_42 = arith.constant 0 : index
    %swap3A_43 = arith.constant 0 : index
    %swap3A_44 = vector.load %arg11[%swap3A_42, %swap3A_43] : memref<2000x128xf32, #tpu.memory_space<vmem>>, vector<2000x128xf32>
    tpu.vector_store %arg11[%swap3A_42, %swap3A_43], %exp3A_24 {strides = array<i32>} : memref<2000x128xf32, #tpu.memory_space<vmem>>, vector<2000x128xf32>,
    return
  }
  func.func @transform_0(%arg0: i32) -> (i32, i32) {
    %c0_i32 = arith.constant 0 : i32
    %c0_i32_0 = arith.constant 0 : i32
    return %arg0, %c0_i32 : i32, i32
  }
  func.func @transform_1(%arg0: i32) -> (i32, i32) {
    %c0_i32 = arith.constant 0 : i32
    %c0_i32_0 = arith.constant 0 : i32
    return %arg0, %c0_i32 : i32, i32
  }
  func.func @transform_2(%arg0: i32) -> (i32, i32) {
    %c0_i32 = arith.constant 0 : i32
    %c0_i32_0 = arith.constant 0 : i32
    %c0_i32_1 = arith.constant 0 : i32
    return %c0_i32, %c0_i32_0 : i32, i32
  }
  func.func @transform_3(%arg0: i32) -> (i32, i32) {
    %c0_i32 = arith.constant 0 : i32
    %c0_i32_0 = arith.constant 0 : i32
    %c0_i32_1 = arith.constant 0 : i32
    return %c0_i32, %c0_i32_0 : i32, i32
  }
  func.func @transform_4(%arg0: i32) -> (i32, i32) {
    %c0_i32 = arith.constant 0 : i32
    %c0_i32_0 = arith.constant 0 : i32
    %c0_i32_1 = arith.constant 0 : i32
    return %c0_i32, %c0_i32_0 : i32, i32
  }
  func.func @transform_5(%arg0: i32) -> (i32, i32) {
    %c0_i32 = arith.constant 0 : i32
    %c0_i32_0 = arith.constant 0 : i32
    %c0_i32_1 = arith.constant 0 : i32
    return %c0_i32, %c0_i32_0 : i32, i32
  }
  func.func @transform_6(%arg0: i32) -> (i32, i32) {
    %c0_i32 = arith.constant 0 : i32
    %c0_i32_0 = arith.constant 0 : i32
    %c0_i32_1 = arith.constant 0 : i32
    return %c0_i32, %c0_i32_0 : i32, i32
  }
  func.func @transform_7(%arg0: i32) -> (i32, i32) {
    %c0_i32 = arith.constant 0 : i32
    %c0_i32_0 = arith.constant 0 : i32
    return %arg0, %c0_i32 : i32, i32
  }
  func.func @transform_8(%arg0: i32) -> (i32, i32) {
    %c0_i32 = arith.constant 0 : i32
    %c0_i32_0 = arith.constant 0 : i32
    return %arg0, %c0_i32 : i32, i32
  }
  func.func @transform_9(%arg0: i32) -> (i32, i32) {
    %c0_i32 = arith.constant 0 : i32
    %c0_i32_0 = arith.constant 0 : i32
    return %arg0, %c0_i32 : i32, i32
  }
  func.func @transform_10(%arg0: i32) -> (i32, i32) {
    %c0_i32 = arith.constant 0 : i32
    %c0_i32_0 = arith.constant 0 : i32
    return %arg0, %c0_i32 : i32, i32
  }
}

module attributes {stable_mosaic.version = 14 : i64} {
  func.func @_tc2_body(%arg0: i32, %arg1: memref<2x2000x144xf32, #tpu.memory_space<vmem>>, %arg2: memref<2000x128xf32, #tpu.memory_space<vmem>>, %arg3: memref<2000x128xf32, #tpu.memory_space<vmem>>, %arg4: memref<4x128xf32, #tpu.memory_space<vmem>>, %arg5: memref<2000x128xf32, #tpu.memory_space<vmem>>) attributes {dimension_semantics = [#tpu.dimension_semantics<arbitrary>], iteration_bounds = array<i64: 5>, scalar_prefetch = 0 : i64, scratch_operands = 0 : i64, tpu.core_type = #tpu.core_type<tc>, window_params = [{transform_indices = @transform_0, window_bounds = array<i64: 2, 2000, 144>}, {transform_indices = @transform_1, window_bounds = array<i64: 2000, 128>}, {transform_indices = @transform_2, window_bounds = array<i64: 2000, 128>}, {pipeline_mode = #tpu.pipeline_mode<synchronous>, transform_indices = @transform_3, window_bounds = array<i64: 4, 128>}, {transform_indices = @transform_4, window_bounds = array<i64: 2000, 128>}]} {
    %get3A = arith.constant 0 : index
    %get3A_0 = arith.constant 0 : index
    %get3A_1 = arith.constant 0 : index
    %get3A_2 = vector.load %arg1[%get3A, %get3A_0, %get3A_1] : memref<2x2000x144xf32, #tpu.memory_space<vmem>>, vector<1x2000x144xf32>
    %get3A_3 = vector.shape_cast %get3A_2 : vector<1x2000x144xf32> to vector<2000x144xf32>
    %get3A_4 = arith.constant 1 : index
    %get3A_5 = arith.constant 0 : index
    %get3A_6 = arith.constant 0 : index
    %get3A_7 = vector.load %arg1[%get3A_4, %get3A_5, %get3A_6] : memref<2x2000x144xf32, #tpu.memory_space<vmem>>, vector<1x2000x144xf32>
    %get3A_8 = vector.shape_cast %get3A_7 : vector<1x2000x144xf32> to vector<2000x144xf32>
    %add3A = arith.addf %get3A_3, %get3A_8 : vector<2000x144xf32>
    %get3A_9 = arith.constant 0 : index
    %get3A_10 = arith.constant 0 : index
    %get3A_11 = vector.load %arg2[%get3A_9, %get3A_10] : memref<2000x128xf32, #tpu.memory_space<vmem>>, vector<2000x128xf32>
    %slice3A = vector.extract_strided_slice %add3A {offsets = [0, 128], sizes = [2000, 4], strides = [1, 1]} : vector<2000x144xf32> to vector<2000x4xf32>
    %get3A_12 = arith.constant 0 : index
    %get3A_13 = arith.constant 0 : index
    %get3A_14 = vector.load %arg4[%get3A_12, %get3A_13] : memref<4x128xf32, #tpu.memory_space<vmem>>, vector<4x128xf32>
    %dot_general3A = arith.constant dense<0.000000e+00> : vector<2000x128xf32>
    %dot_general3A_15 = tpu.matmul %slice3A, %get3A_14, %dot_general3A {dimension_numbers = #tpu.dot_dimension_numbers<[1], [0], [0], [1], [0, 0, 1, 1], [], []>, transpose_lhs_hint = false} : vector<2000x4xf32>, vector<4x128xf32>, vector<2000x128xf32> -> vector<2000x128xf32>
    %mul3A = arith.mulf %get3A_11, %dot_general3A_15 : vector<2000x128xf32>
    %add3A_16 = arith.constant 1.000000e-16 : f32
    %add3A_17 = vector.broadcast %add3A_16 : f32 to vector<2000x128xf32>
    %add3A_18 = arith.addf %mul3A, %add3A_17 : vector<2000x128xf32>
    %div3A = arith.constant 1.000000e+00 : f32
    %div3A_19 = vector.broadcast %div3A : f32 to vector<2000x128xf32>
    %div3A_20 = arith.divf %div3A_19, %add3A_18 : vector<2000x128xf32>
    %slice3A_21 = vector.extract_strided_slice %add3A {offsets = [0, 0], sizes = [2000, 128], strides = [1, 1]} : vector<2000x144xf32> to vector<2000x128xf32>
    %mul3A_22 = arith.mulf %get3A_11, %slice3A_21 : vector<2000x128xf32>
    %mul3A_23 = arith.mulf %mul3A_22, %div3A_20 : vector<2000x128xf32>
    %get3A_24 = arith.constant 0 : index
    %get3A_25 = arith.constant 0 : index
    %get3A_26 = vector.load %arg3[%get3A_24, %get3A_25] : memref<2000x128xf32, #tpu.memory_space<vmem>>, vector<2000x128xf32>
    %add3A_27 = arith.addf %mul3A_23, %get3A_26 : vector<2000x128xf32>
    %mul3A_28 = arith.mulf %get3A_11, %add3A_27 : vector<2000x128xf32>
    %mul3A_29 = arith.mulf %mul3A_28, %div3A_20 : vector<2000x128xf32>
    %swap3A = arith.constant 0 : index
    %swap3A_30 = arith.constant 0 : index
    %swap3A_31 = vector.load %arg5[%swap3A, %swap3A_30] : memref<2000x128xf32, #tpu.memory_space<vmem>>, vector<2000x128xf32>
    tpu.vector_store %arg5[%swap3A, %swap3A_30], %mul3A_29 {strides = array<i32>} : memref<2000x128xf32, #tpu.memory_space<vmem>>, vector<2000x128xf32>,
    return
  }
  func.func @transform_0(%arg0: i32) -> (i32, i32, i32) {
    %c0_i32 = arith.constant 0 : i32
    %c0_i32_0 = arith.constant 0 : i32
    %c0_i32_1 = arith.constant 0 : i32
    return %c0_i32, %arg0, %c0_i32_0 : i32, i32, i32
  }
  func.func @transform_1(%arg0: i32) -> (i32, i32) {
    %c0_i32 = arith.constant 0 : i32
    %c0_i32_0 = arith.constant 0 : i32
    return %arg0, %c0_i32 : i32, i32
  }
  func.func @transform_2(%arg0: i32) -> (i32, i32) {
    %c0_i32 = arith.constant 0 : i32
    %c0_i32_0 = arith.constant 0 : i32
    return %arg0, %c0_i32 : i32, i32
  }
  func.func @transform_3(%arg0: i32) -> (i32, i32) {
    %c0_i32 = arith.constant 0 : i32
    %c0_i32_0 = arith.constant 0 : i32
    %c0_i32_1 = arith.constant 0 : i32
    return %c0_i32, %c0_i32_0 : i32, i32
  }
  func.func @transform_4(%arg0: i32) -> (i32, i32) {
    %c0_i32 = arith.constant 0 : i32
    %c0_i32_0 = arith.constant 0 : i32
    return %arg0, %c0_i32 : i32, i32
  }
}

module attributes {stable_mosaic.version = 14 : i64} {
  func.func @_tc3_body(%arg0: i32, %arg1: memref<2x2000x128xf32, #tpu.memory_space<vmem>>, %arg2: memref<2000x128xf32, #tpu.memory_space<vmem>>, %arg3: memref<1x128xf32, #tpu.memory_space<vmem>>, %arg4: memref<2000x128xf32, #tpu.memory_space<vmem>>) attributes {dimension_semantics = [#tpu.dimension_semantics<arbitrary>], iteration_bounds = array<i64: 5>, scalar_prefetch = 0 : i64, scratch_operands = 0 : i64, tpu.core_type = #tpu.core_type<tc>, window_params = [{transform_indices = @transform_0, window_bounds = array<i64: 2, 2000, 128>}, {transform_indices = @transform_1, window_bounds = array<i64: 2000, 128>}, {pipeline_mode = #tpu.pipeline_mode<synchronous>, transform_indices = @transform_2, window_bounds = array<i64: 1, 128>}, {transform_indices = @transform_3, window_bounds = array<i64: 2000, 128>}]} {
    %get3A = arith.constant 0 : index
    %get3A_0 = arith.constant 0 : index
    %get3A_1 = vector.load %arg2[%get3A, %get3A_0] : memref<2000x128xf32, #tpu.memory_space<vmem>>, vector<2000x128xf32>
    %get3A_2 = arith.constant 0 : index
    %get3A_3 = arith.constant 0 : index
    %get3A_4 = arith.constant 0 : index
    %get3A_5 = vector.load %arg1[%get3A_2, %get3A_3, %get3A_4] : memref<2x2000x128xf32, #tpu.memory_space<vmem>>, vector<1x2000x128xf32>
    %get3A_6 = vector.shape_cast %get3A_5 : vector<1x2000x128xf32> to vector<2000x128xf32>
    %get3A_7 = arith.constant 1 : index
    %get3A_8 = arith.constant 0 : index
    %get3A_9 = arith.constant 0 : index
    %get3A_10 = vector.load %arg1[%get3A_7, %get3A_8, %get3A_9] : memref<2x2000x128xf32, #tpu.memory_space<vmem>>, vector<1x2000x128xf32>
    %get3A_11 = vector.shape_cast %get3A_10 : vector<1x2000x128xf32> to vector<2000x128xf32>
    %add3A = arith.addf %get3A_6, %get3A_11 : vector<2000x128xf32>
    %mul3A = arith.mulf %get3A_1, %add3A : vector<2000x128xf32>
    %get3A_12 = arith.constant 0 : index
    %get3A_13 = arith.constant 0 : index
    %get3A_14 = vector.load %arg3[%get3A_12, %get3A_13] : memref<1x128xf32, #tpu.memory_space<vmem>>, vector<1x128xf32>
    %add3A_15 = vector.broadcast %get3A_14 : vector<1x128xf32> to vector<2000x128xf32>
    %add3A_16 = arith.addf %mul3A, %add3A_15 : vector<2000x128xf32>
    %swap3A = arith.constant 0 : index
    %swap3A_17 = arith.constant 0 : index
    %swap3A_18 = vector.load %arg4[%swap3A, %swap3A_17] : memref<2000x128xf32, #tpu.memory_space<vmem>>, vector<2000x128xf32>
    tpu.vector_store %arg4[%swap3A, %swap3A_17], %add3A_16 {strides = array<i32>} : memref<2000x128xf32, #tpu.memory_space<vmem>>, vector<2000x128xf32>,
    return
  }
  func.func @transform_0(%arg0: i32) -> (i32, i32, i32) {
    %c0_i32 = arith.constant 0 : i32
    %c0_i32_0 = arith.constant 0 : i32
    %c0_i32_1 = arith.constant 0 : i32
    return %c0_i32, %arg0, %c0_i32_0 : i32, i32, i32
  }
  func.func @transform_1(%arg0: i32) -> (i32, i32) {
    %c0_i32 = arith.constant 0 : i32
    %c0_i32_0 = arith.constant 0 : i32
    return %arg0, %c0_i32 : i32, i32
  }
  func.func @transform_2(%arg0: i32) -> (i32, i32) {
    %c0_i32 = arith.constant 0 : i32
    %c0_i32_0 = arith.constant 0 : i32
    %c0_i32_1 = arith.constant 0 : i32
    return %c0_i32, %c0_i32_0 : i32, i32
  }
  func.func @transform_3(%arg0: i32) -> (i32, i32) {
    %c0_i32 = arith.constant 0 : i32
    %c0_i32_0 = arith.constant 0 : i32
    return %arg0, %c0_i32 : i32, i32
  }
}

</mosaic_0001>

<sc_bundles>
// kernel: kernel.10.cloned.1.call-start
scs
__scs_entry_jumppad:
0x0: {  	(pc) =	sbr.rel $0x88, $3  }
0x1: {  	(tag) =	ssettag $0x0;
	lr =	simm.s32 $0x1  }
0x2: {  	[smem:$0x3F99] =	sst lr;
	_ =	strace $0xD0000000  }
0x3: {  	_ = 	snop  }
0x4: {  	_ = 	snop  }
0x5: {  	_ = 	snop  }
0x6: {  	_ = 	snop  }
0x7: {  	_ = 	snop  }
__scs_overlays_trampoline_lowered:
0x8: {  	[smem:$0x3FA8] =	sst s0  }
0x9: {  	[smem:$0x3FA9] =	sst s1  }
0xa: {  	[smem:$0x3FAA] =	sst s2  }
0xb: {  	[smem:$0x3FAB] =	sst s3  }
0xc: {  	[smem:$0x3FAC] =	sst s4  }
0xd: {  	[smem:$0x3FAD] =	sst s5  }
0xe: {  	[smem:$0x3FAE] =	sst s6  }
0xf: {  	[smem:$0x3FAF] =	sst s7  }
0x10: {  	[smem:$0x3FB0] =	sst s8  }
0x11: {  	[smem:$0x3FB1] =	sst s9;
	s0 =	simm.s32 @!p0 $0x0  }
0x12: {  	s1 =	sld [smem:$0x3F97];
	s0 =	simm.s32 @p0 $0x1  }
0x13: {  	[smem:$0x3FB2] =	sst s0;
	s0 =	simm.s32 @!p1 $0x0  }
0x14: {  	s2 =	sld [smem:$0x3F96];
	s0 =	simm.s32 @p1 $0x1  }
0x15: {  	[smem:$0x3FB3] =	sst s0;
	s0 =	simm.s32 @!p2 $0x0  }
0x16: {  	s3 =	sld [smem:$0x3FDB];
	s0 =	simm.s32 @p2 $0x1  }
0x17: {  	s4 =	simm.s32 $0x1BF5;
	[smem:$0x3FB5] =	sst s0  }
0x18: {  	s0 =	sld [smem:$0x3F98];
	_ =	swait.ge [sflag:s4], $0x0  }
0x19: {  	s7 =	sld [smem:$0x3F99]  }
0x1a: {  	s8 =	sadd.s32 $0xFFFFE003, lr  }
0x1b: {  	s9 =	sadd.s32 $0xFFFFFEF7, lr;
	s5 =	simm.s32 $0xFFFFFFFF;
	p2 =	slt.u32 s8, $0xFFFFF086  }
0x1c: {  	p1 =	slt.u32 s9, $0xF7A;
	s5 =	simm.s32 @!p2 $0x0  }
0x1d: {  	s5 =	simm.s32 @p1 $0x1;
	p0 =	seq.s32 s7, s2  }
0x1e: {  	s7 =	smul.u32 @!p0 $0xF7A, s2;
	p2 =	seq.s32 @!p0 s5, $0x0  }
0x1f: {  	s9 =	smul.u32 $0xF7A, s1;
	s8 =	simm.s32 @!p0 $0x1BF5;
	p2 =	por !p2, p0  }
0x20: {  	[sflag:s8] =	ssyncset.s32 @!p0 $0xFFFFF086;
	s6 =	sadd.s32 @!p0 s3, s7;
	s7 =	simm.s32 @!p0 $0x108  }
0x21: {  	s3 =	sadd.s32 s3, s9;
	s6 =	sadd.s32 @!p0 $0x88, s6;
	s7 =	simm.s32 @p2 $0x1082  }
0x22: {  	[simem:s7], [sflag:s8] =	dma.local @!p0 [hbm:s6], $0xF7A  }
0x23: {  	s9 =	sor.u32 $0xD0000000, s2;
	s6 =	simm.s32 $0x108;
	_ =	swait.ge @!p0 [sflag:s8], $0x0  }
0x24: {  	s3 =	sadd.s32 $0x88, s3;
	s6 =	simm.s32 @!p1 $0x1082;
	[sflag:s4] =	ssyncset.s32 $0xFFFFF086  }
0x25: {  	[simem:s6], [sflag:s4] =	dma.local [hbm:s3], $0xF7A  }
0x26: {  	[smem:$0x3F99] =	sst s1;
	(tag) =	ssettag s2;
	_ =	strace s9  }
0x27: {  	s1 =	sld [smem:$0x3FA9]  }
0x28: {  	s2 =	sld [smem:$0x3FAA]  }
0x29: {  	s4 =	sld [smem:$0x3FAC]  }
0x2a: {  	p0 =	seq.s32 s5, $0x0;
	s5 =	sld [smem:$0x3FAD]  }
0x2b: {  	s6 =	sld [smem:$0x3FAE]  }
0x2c: {  	s7 =	sld [smem:$0x3FAF]  }
0x2d: {  	s3 =	simm.s32 $0x108;
	s8 =	sld [smem:$0x3FB0]  }
0x2e: {  	s3 =	simm.s32 @!p0 $0x1082;
	s9 =	sld [smem:$0x3FB1]  }
0x2f: {  	lr =	sadd.s32 s0, s3;
	s0 =	sld [smem:$0x3FA8]  }
0x30: {  	s3 =	sld [smem:$0x3FAB]  }
0x31: {  	[smem:$0x3FB4] =	sst s10  }
0x32: {  	s10 =	sld [smem:$0x3FB2];
	_ =	sdelay $0x3  }
0x33: {  	p0 =	seq.s32 s10, $0x1;
	s10 =	sld [smem:$0x3FB4];
	_ =	sdelay $0x3  }
0x34: {  	[smem:$0x3FB4] =	sst s10  }
0x35: {  	s10 =	sld [smem:$0x3FB3];
	_ =	sdelay $0x3  }
0x36: {  	p1 =	seq.s32 s10, $0x1;
	s10 =	sld [smem:$0x3FB4];
	_ =	sdelay $0x3  }
0x37: {  	[smem:$0x3FB4] =	sst s10  }
0x38: {  	s10 =	sld [smem:$0x3FB5]  }
0x39: {  	_ = 	snop;
	(pc) =	sbr.ind lr, $3  }
0x3a: {  	_ = 	snop  }
0x3b: {  	_ = 	snop  }
0x3c: {  	p2 =	seq.s32 s10, $0x1;
	s10 =	sld [smem:$0x3FB4]  }
0x3d: {  	_ =	shalt  }
0x3e: {  	_ =	shalt  }
0x3f: {  	_ =	shalt  }
0x40: {  	_ =	shalt  }
0x41: {  	_ =	shalt  }
0x42: {  	_ =	shalt  }
0x43: {  	_ =	shalt  }
0x44: {  	_ =	shalt  }
0x45: {  	_ =	shalt  }
0x46: {  	_ =	shalt  }
0x47: {  	_ =	shalt  }
0x48: {  	_ =	shalt  }
0x49: {  	_ =	shalt  }
0x4a: {  	_ =	shalt  }
0x4b: {  	_ =	shalt  }
0x4c: {  	_ =	shalt  }
0x4d: {  	_ =	shalt  }
0x4e: {  	_ =	shalt  }
0x4f: {  	_ =	shalt  }
0x50: {  	_ =	shalt  }
0x51: {  	_ =	shalt  }
0x52: {  	_ =	shalt  }
0x53: {  	_ =	shalt  }
0x54: {  	_ =	shalt  }
0x55: {  	_ =	shalt  }
0x56: {  	_ =	shalt  }
0x57: {  	_ =	shalt  }
0x58: {  	_ =	shalt  }
0x59: {  	_ =	shalt  }
0x5a: {  	_ =	shalt  }
0x5b: {  	_ =	shalt  }
0x5c: {  	_ =	shalt  }
0x5d: {  	_ =	shalt  }
0x5e: {  	_ =	shalt  }
0x5f: {  	_ =	shalt  }
0x60: {  	_ =	shalt  }
0x61: {  	_ =	shalt  }
0x62: {  	_ =	shalt  }
0x63: {  	_ =	shalt  }
0x64: {  	_ =	shalt  }
0x65: {  	_ =	shalt  }
0x66: {  	_ =	shalt  }
0x67: {  	_ =	shalt  }
0x68: {  	_ =	shalt  }
0x69: {  	_ =	shalt  }
0x6a: {  	_ =	shalt  }
0x6b: {  	_ =	shalt  }
0x6c: {  	_ =	shalt  }
0x6d: {  	_ =	shalt  }
0x6e: {  	_ =	shalt  }
0x6f: {  	_ =	shalt  }
0x70: {  	_ =	shalt  }
0x71: {  	_ =	shalt  }
0x72: {  	_ =	shalt  }
0x73: {  	_ =	shalt  }
0x74: {  	_ =	shalt  }
0x75: {  	_ =	shalt  }
0x76: {  	_ =	shalt  }
0x77: {  	_ =	shalt  }
0x78: {  	_ =	shalt  }
0x79: {  	_ =	shalt  }
0x7a: {  	_ =	shalt  }
0x7b: {  	_ =	shalt  }
0x7c: {  	_ =	shalt  }
0x7d: {  	_ =	shalt  }
0x7e: {  	_ =	shalt  }
0x7f: {  	_ =	shalt  }
0x80: {  	_ =	shalt  }
0x81: {  	_ =	shalt  }
0x82: {  	_ =	shalt  }
0x83: {  	_ =	shalt  }
0x84: {  	_ =	shalt  }
0x85: {  	_ =	shalt  }
0x86: {  	_ =	shalt  }
0x87: {  	_ =	shalt  }
.Lfunc_end0:
.L_simem_size_0:
called_computation.1_lowered:
.L_overlay_start_0:
0x88: {  	s2 =	sld [smem:$0x3FD9]  }
0x89: {  	s3 =	sld [smem:$0x3FFE];
	_ =	sdelay $0x1  }
0x8a: {  	s1 =	srdreg.scid  }
0x8b: {  	s0 =	sand.u32 $0x1, s1  }
0x8c: {  	s17 =	sshll.u32 s0, $0xA;
	s2 =	sadd.s32 s3, s2  }
0x8d: {  	s2 =	sadd.s32 s2, s17  }
0x8e: {  	[smem:$0x3FC0] =	sst s2  }
0x8f: {  	_ = 	snop  }
0x90: {  	s2 =	sld [smem:$0x3FD0];
	(tm) =	ssettm $0x1  }
0x91: {  	s18 =	sld [smem:$0x3FFB];
	_ =	sdelay $0x3  }
0x92: {  	_ =	strace s18  }
0x93: {  	s3 =	sld [smem:$0x3FFC];
	_ =	sdelay $0x3  }
0x94: {  	_ =	strace s3  }
0x95: {  	s3 =	sld [smem:$0x3FFD];
	_ =	sdelay $0x3  }
0x96: {  	_ =	strace s3  }
0x97: {  	_ =	strace $0x8FFFFFFF  }
0x98: {  	s19 =	sld [smem:$0x3FDB];
	_ =	sdelay $0x1  }
0x99: {  	s4 =	simm.s32 $_scs_section_size  }
0x9a: {  	s5 =	simm.s32 $_size__tile_overlayer_lowered;
	s6 =	simm.s32 $_tile_overlayer_lowered  }
0x9b: {  	s22 =	simm.s32 $0x1BFF;
	s21 =	sshll.u32 s6, $0x1;
	s3 =	sadd.s32 s4, s19  }
0x9c: {  	s7 =	simm.s32 $0x0;
	s20 =	sshll.u32 s5, $0x1;
	s5 =	sadd.s32 s21, s3  }
0x9d: {  	[timem:s7], [sflag:s22] =	dma.local [hbm:s5], s20  }
0x9e: {  	_ =	swait.ge [sflag:s22], s20  }
0x9f: {  	s4 =	ssub.s32 $0x0, s20;
	[sflag:s22] =	ssyncset.done $0x0  }
0xa0: {  	[sflag:s22] =	ssyncadd.s32 s4;
	_ =	sdelay $0x1  }
0xa1: {  	s23 =	simm.s32 $0x1B8B  }
0xa2: {  	_ =	swait.ge [sflag:s23], $0x1  }
0xa3: {  	[sflag:s23] =	ssyncset.done $0x0  }
0xa4: {  	s25 =	simm.s32 $0x1B8E;
	s24 =	sld [smem:$0x3FFE];
	[sflag:s23] =	ssyncadd.s32 $0xFFFFFFFF  }
0xa5: {  	s26 =	simm.s32 $execute0_lowered;
	[smem:$0x3FD2] =	sst s25  }
0xa6: {  	s5 =	sshll.u32 s26, $0x1;
	_ =	strace $0x80000049;
	[dreg:$0x1] =	wrdreg $0xFFFFFFFF  }
0xa7: {  	s28 =	simm.s32 $_size_execute0_lowered;
	s3 =	sadd.s32 s3, s5;
	[dreg:$0x0] =	wrdreg $0x0  }
0xa8: {  	s5 =	sshll.u32 s28, $0x1;
	[dreg:$0x2] =	wrdreg s3  }
0xa9: {  	[dreg:$0x3] =	wrdreg s5  }
0xaa: {  	[dreg:$0x4] =	wrdreg $0xC0  }
0xab: {  	_ =	task [dreg:s7], $0x5FFFF  }
0xac: {  	[dreg:$0x1] =	wrdreg $0xFFFFFFFF  }
0xad: {  	[dreg:$0x0] =	wrdreg $0x60  }
0xae: {  	[dreg:$0x2] =	wrdreg s2  }
0xaf: {  	[dreg:$0x3] =	wrdreg s24  }
0xb0: {  	[dreg:$0x4] =	wrdreg $0x51400  }
0xb1: {  	[dreg:$0x5] =	wrdreg $0x9  }
0xb2: {  	_ =	task.clear_ibuf [dreg:s7], $0x6FFFF;
	_ =	strace $0x90000049  }
0xb3: {  	s29 =	simm.s32 $0x9;
	_ =	strace $0x8000004B  }
0xb4: {  	_ =	swait.ge [sflag:s29], $0x1  }
0xb5: {  	[sflag:s29] =	ssyncadd.s32 $0xFFFFFFFF  }
0xb6: {  	_ =	strace $0x9000004B  }
0xb7: {  	_ =	sfence  }
0xb8: {  	s30 =	sld [smem:$0x0];
	_ =	sdelay $0x2  }
0xb9: {  	s31 =	sshll.u32 s1, $0xD;
	s1 =	sshrl.u32 s1, $0x2  }
0xba: {  	s3 =	sand.u32 $0x4000, s31;
	s1 =	sadd.s32 s1, s30  }
0xbb: {  	s0 =	sor.u32 s3, s0;
	s1 =	sshll.u32 s1, $0x11  }
0xbc: {  	s0 =	sor.u32 s1, s0  }
0xbd: {  	s0 =	sadd.s32 $0x8F2B, s0  }
0xbe: {  	[sflag:s0] =	ssyncadd.remote.s32 $0x1  }
0xbf: {  	_ =	sfence.sel $0xFFFF  }
0xc0: {  	[dreg:$0x0] =	wrdreg $0xFFFFFFFF;
	(pc) =	sbr.abs _section_cstart, $3  }
0xc1: {  	[dreg:$0x1] =	wrdreg $0xFFFFFFFF  }
0xc2: {  	_ =	task.clear_ibuf [dreg:s7], $0x2FFFF;
	_ =	strace $0x9FFFFFFF  }
0xc3: {  	(tm) =	ssettm $0x7FFFFFFF  }
tec
execute0_lowered:
.L_overlay_start_1:
0x0: {  	(tag) =	ssettag $0x1  }
0x1: {  	s1 =	rddreg [dreg:$0x0]  }
0x2: {  	s0 =	stileid.u32;
	s6 =	rddreg [dreg:$0x1]  }
0x3: {  	s2 =	srdreg.scid;
	s3 =	rddreg [dreg:$0x2]  }
0x4: {  	s4 =	simm.s32 $0x0;
	s18 =	simm.s32 $0x3;
	s8 =	smul.u32 $0x13880, s0  }
0x5: {  	s19 =	simm.s32 $0x50;
	s20 =	simm.s32 $0x140;
	s11 =	smul.u32 $0x7D, s0  }
0x6: {  	s7 =	sand.u32 $0x1, s2;
	s2 =	rddreg [dreg:$0x3];
	s29 =	smul.u32 $0x4E20, s0  }
0x7: {  	s21 =	simm.s32 $0x4;
	[smem:$0x7FF] =	sst s4;
	s9 =	smul.u32 $0x138800, s7  }
0x8: {  	s5 =	sadd.s32 $0x2D400, s6;
	s30 =	sshll.u32 s0, $0x6;
	s10 =	smul.u32 $0x7D0, s7  }
0x9: {  	_ =	strace $0x8000004A;
	s24 =	ssub.s32 $0x2, s7;
	s26 =	smul.u32 $0x4E200, s7  }
0xa: {  	s22 =	sshrl.u32 s8, $0x3;
	s28 =	sshrl.u32 s24, $0x1;
	s16 =	sadd.s32 s8, s3  }
0xb: {  	s9 =	sadd.s32 s8, s9;
	s10 =	sadd.s32 s11, s10;
	s11 =	sadd.s32 s22, s6  }
0xc: {  	s15 =	ssub.s32 s24, s28;
	s17 =	sadd.s32 s29, s26;
	s16 =	sshrl.u32 s16, $0x3  }
0xd: {  	s22 =	simm.s32 $0x2940;
	s24 =	simm.s32 $0x2;
	s12 =	smul.u32 $0xA0, s10  }
0xe: {  	s26 =	simm.s32 $0x0;
	s9 =	sshrl.u32 s9, $0x3;
	s23 =	smul.u32 $0x14, s10  }
0xf: {  	s8 =	sadd.s32 $0x1400, s11;
	s11 =	smax.u32 s15, $0x1;
	s15 =	simm.s32 $0xA0  }
0x10: {  	s13 =	sadd.s32 s9, s6;
	s9 =	sor.u32 $0x1C05, s30;
	s25 =	sshrl.u32 s12, $0x3  }
0x11: {  	s6 =	sadd.s32 s5, s23;
	s12 =	sadd.s32 $0x1E0, s17;
	s10 =	sadd.s32 $0x40E00, s13  }
0x12: {  	s23 =	simm.s32 $0x1;
	s14 =	sadd.s32 s5, s25;
	s31 =	sshrl.u32 s12, $0x3  }
0x13: {  	s25 =	simm.s32 $0xF0;
	s7 =	sadd.s32 $0x14, s14;
	s12 =	sadd.s32 $0x9B0, s14  }
0x14: {  	s13 =	sadd.s32 s31, s5;
	s14 =	sadd.s32 $0x140, s17;
	s17 =	simm.s32 $0x5  }
.LBB2_1:
0x15: {  	[tilespmem:s4], [sflag:$0x3] =	stream.linear.gather [hbm4b:s6+s4], $0xA0, $0x38;
	[tilespmem:$0x189C0] =	vst v63  }
0x16: {  	_ = 	snop  }
0x17: {  	[tilespmem:s15], [sflag:$0x4] =	stream.linear.gather [hbm4b:s7+s4], $0xA0, $0x38;
	[tilespmem:$0x189C0] =	vst v63  }
0x18: {  	[spmem:s16], [sflag:s9] =	dma.local [hbm:s8], $0x2710  }
0x19: {  	_ =	swait.ge [sflag:s17], $0x2710  }
0x1a: {  	[sflag:s17] =	ssyncset.done $0x0  }
0x1b: {  	[sflag:s17] =	ssyncadd.s32 $0xFFFFD8F0  }
0x1c: {  	[bflag:$0x0] =	sbarrier.arrive $0xFFFF  }
0x1d: {  	_ =	swait.ge [sflag:s18], $0xA0  }
0x1e: {  	[sflag:s18] =	ssyncset.done $0x0  }
0x1f: {  	[sflag:s18] =	ssyncadd.s32 $0xFFFFFF60  }
0x20: {  	[tilespmem:s20], [sflag:$0x1] =	stream.indirect.gather [hbm4b:s1+s19], $0x80, s4, s19, $0xb8;
	[tilespmem:$0x189C0] =	vst v63  }
0x21: {  	_ =	swait.ge [sflag:s21], $0xA0  }
0x22: {  	[sflag:s21] =	ssyncset.done $0x0  }
0x23: {  	[sflag:s21] =	ssyncadd.s32 $0xFFFFFF60  }
0x24: {  	[tilespmem:s22], [sflag:$0x2] =	stream.indirect.gather [hbm4b:s1+s19], $0x80, s15, s19, $0xb8;
	[tilespmem:$0x189C0] =	vst v63  }
0x25: {  	_ =	swait.ge [sflag:s23], $0x2800  }
0x26: {  	[sflag:s23] =	ssyncset.done $0x0  }
0x27: {  	[sflag:s23] =	ssyncadd.s32 $0xFFFFD800  }
0x28: {  	[spmem:s3] =	stream.indirect.scatter.add.f32 [tilespmem:s20], [sflag:$0x5], $0x80, s19, s19, $0xb8;
	[tilespmem:$0x189C0] =	vst v63  }
0x29: {  	_ =	swait.ge [sflag:s17], $0x2800  }
0x2a: {  	s28 =	sshrl.u32 s14, $0x3;
	[sflag:s17] =	ssyncset.done $0x0  }
0x2b: {  	s28 =	sadd.s32 s5, s28;
	[sflag:s17] =	ssyncadd.s32 $0xFFFFD800  }
0x2c: {  	[tilespmem:s4], [sflag:$0x3] =	stream.linear.gather [hbm4b:s28+s4], $0xA0, $0x38;
	[tilespmem:$0x189C0] =	vst v63  }
0x2d: {  	_ =	swait.ge [sflag:s18], $0xA0  }
0x2e: {  	[sflag:s18] =	ssyncset.done $0x0  }
0x2f: {  	[sflag:s18] =	ssyncadd.s32 $0xFFFFFF60  }
0x30: {  	[tilespmem:s20], [sflag:$0x1] =	stream.indirect.gather [hbm4b:s1+s19], $0x80, s4, s19, $0xb8;
	[tilespmem:$0x189C0] =	vst v63  }
0x31: {  	_ =	swait.ge [sflag:s24], $0x2800  }
0x32: {  	[sflag:s24] =	ssyncset.done $0x0  }
0x33: {  	[sflag:s24] =	ssyncadd.s32 $0xFFFFD800  }
0x34: {  	[spmem:s3] =	stream.indirect.scatter.add.f32 [tilespmem:s22], [sflag:$0x5], $0x80, s25, s19, $0xb8;
	[tilespmem:$0x189C0] =	vst v63  }
0x35: {  	_ =	swait.ge [sflag:s17], $0x2800  }
0x36: {  	s30 =	sadd.s32 $0x0, s13;
	[sflag:s17] =	ssyncset.done $0x0  }
0x37: {  	s29 =	sadd.s32 $0x140, s14;
	s28 =	simm.s32 $0x28;
	[sflag:s17] =	ssyncadd.s32 $0xFFFFD800  }
.LBB2_2:
0x38: {  	[tilespmem:s15], [sflag:$0x4] =	stream.linear.gather [hbm4b:s30+s4], $0xA0, $0x38;
	[tilespmem:$0x189C0] =	vst v63  }
0x39: {  	s30 =	smov.u32 s28  }
0x3a: {  	p0 =	sne.s32 s28, $0x960;
	s28 =	sadd.s32 $0x28, s28;
	_ =	swait.ge [sflag:s21], $0xA0  }
0x3b: {  	[sflag:s21] =	ssyncset.done $0x0  }
0x3c: {  	[sflag:s21] =	ssyncadd.s32 $0xFFFFFF60  }
0x3d: {  	[tilespmem:s22], [sflag:$0x2] =	stream.indirect.gather [hbm4b:s1+s19], $0x80, s15, s19, $0xb8;
	[tilespmem:$0x189C0] =	vst v63  }
0x3e: {  	_ =	swait.ge [sflag:s23], $0x2800  }
0x3f: {  	[sflag:s23] =	ssyncset.done $0x0  }
0x40: {  	[sflag:s23] =	ssyncadd.s32 $0xFFFFD800  }
0x41: {  	[spmem:s3] =	stream.indirect.scatter.add.f32 [tilespmem:s20], [sflag:$0x5], $0x80, s19, s19, $0xb8;
	[tilespmem:$0x189C0] =	vst v63  }
0x42: {  	_ =	swait.ge [sflag:s17], $0x2800  }
0x43: {  	s31 =	sshrl.u32 s29, $0x3;
	[sflag:s17] =	ssyncset.done $0x0  }
0x44: {  	s31 =	sadd.s32 s5, s31;
	[sflag:s17] =	ssyncadd.s32 $0xFFFFD800  }
0x45: {  	[tilespmem:s4], [sflag:$0x3] =	stream.linear.gather [hbm4b:s31+s4], $0xA0, $0x38;
	[tilespmem:$0x189C0] =	vst v63  }
0x46: {  	_ =	swait.ge [sflag:s18], $0xA0  }
0x47: {  	[sflag:s18] =	ssyncset.done $0x0  }
0x48: {  	[sflag:s18] =	ssyncadd.s32 $0xFFFFFF60  }
0x49: {  	[tilespmem:s20], [sflag:$0x1] =	stream.indirect.gather [hbm4b:s1+s19], $0x80, s4, s19, $0xb8;
	[tilespmem:$0x189C0] =	vst v63  }
0x4a: {  	_ =	swait.ge [sflag:s24], $0x2800  }
0x4b: {  	[sflag:s24] =	ssyncset.done $0x0  }
.Ltmp0:
0x4c: {  	[sflag:s24] =	ssyncadd.s32 $0xFFFFD800;
	(pc) =	sbr.rel @p0 .LBB2_2-.Ltmp0, $4  }
0x4d: {  	[spmem:s3] =	stream.indirect.scatter.add.f32 [tilespmem:s22], [sflag:$0x5], $0x80, s25, s19, $0xb8;
	[tilespmem:$0x189C0] =	vst v63  }
0x4e: {  	_ =	swait.ge [sflag:s17], $0x2800  }
0x4f: {  	[sflag:s17] =	ssyncset.done $0x0  }
0x50: {  	s29 =	sadd.s32 $0x140, s29;
	s30 =	sadd.s32 s30, s13;
	[sflag:s17] =	ssyncadd.s32 $0xFFFFD800  }
0x51: {  	[tilespmem:s15], [sflag:$0x4] =	stream.linear.gather [hbm4b:s30+s4], $0xA0, $0x38;
	[tilespmem:$0x189C0] =	vst v63  }
0x52: {  	_ =	swait.ge [sflag:s21], $0xA0  }
0x53: {  	[sflag:s21] =	ssyncset.done $0x0  }
0x54: {  	[sflag:s21] =	ssyncadd.s32 $0xFFFFFF60  }
0x55: {  	[tilespmem:s22], [sflag:$0x2] =	stream.indirect.gather [hbm4b:s1+s19], $0x80, s15, s19, $0xb8;
	[tilespmem:$0x189C0] =	vst v63  }
0x56: {  	_ =	swait.ge [sflag:s23], $0x2800  }
0x57: {  	[sflag:s23] =	ssyncset.done $0x0  }
0x58: {  	[sflag:s23] =	ssyncadd.s32 $0xFFFFD800  }
0x59: {  	[spmem:s3] =	stream.indirect.scatter.add.f32 [tilespmem:s20], [sflag:$0x5], $0x80, s19, s19, $0xb8;
	[tilespmem:$0x189C0] =	vst v63  }
0x5a: {  	_ =	swait.ge [sflag:s17], $0x2800  }
0x5b: {  	[sflag:s17] =	ssyncset.done $0x0  }
0x5c: {  	[sflag:s17] =	ssyncadd.s32 $0xFFFFD800  }
0x5d: {  	[tilespmem:s4], [sflag:$0x3] =	stream.linear.gather [hbm4b:s12+s4], $0xA0, $0x38;
	[tilespmem:$0x189C0] =	vst v63  }
0x5e: {  	_ =	swait.ge [sflag:s18], $0xA0  }
0x5f: {  	[sflag:s18] =	ssyncset.done $0x0  }
0x60: {  	[sflag:s18] =	ssyncadd.s32 $0xFFFFFF60  }
0x61: {  	[tilespmem:s20], [sflag:$0x1] =	stream.indirect.gather [hbm4b:s1+s19], $0x80, s4, s19, $0xb8;
	[tilespmem:$0x189C0] =	vst v63  }
0x62: {  	_ =	swait.ge [sflag:s24], $0x2800  }
0x63: {  	[sflag:s24] =	ssyncset.done $0x0  }
0x64: {  	[sflag:s24] =	ssyncadd.s32 $0xFFFFD800  }
0x65: {  	[spmem:s3] =	stream.indirect.scatter.add.f32 [tilespmem:s22], [sflag:$0x5], $0x80, s25, s19, $0xb8;
	[tilespmem:$0x189C0] =	vst v63  }
0x66: {  	_ =	swait.ge [sflag:s17], $0x2800  }
0x67: {  	[sflag:s17] =	ssyncset.done $0x0  }
0x68: {  	[sflag:s17] =	ssyncadd.s32 $0xFFFFD800  }
0x69: {  	_ =	swait.ge [sflag:s23], $0x2800  }
0x6a: {  	[sflag:s23] =	ssyncset.done $0x0  }
0x6b: {  	[sflag:s23] =	ssyncadd.s32 $0xFFFFD800  }
0x6c: {  	[spmem:s3] =	stream.indirect.scatter.add.f32 [tilespmem:s20], [sflag:$0x5], $0x80, s19, s19, $0xb8;
	[tilespmem:$0x189C0] =	vst v63  }
0x6d: {  	_ =	swait.ge [sflag:s17], $0x2800  }
0x6e: {  	s26 =	sadd.s32 $0x1, s26;
	[sflag:s17] =	ssyncset.done $0x0  }
0x6f: {  	p0 =	sne.s32 s26, s11;
	[sflag:s17] =	ssyncadd.s32 $0xFFFFD800  }
.Ltmp1:
0x70: {  	[bflag:$0x0] =	sbarrier.arrive $0xFFFF;
	(pc) =	sbr.rel @p0 .LBB2_1-.Ltmp1, $4  }
0x71: {  	[hbm:s10], [sflag:s9] =	dma.local [spmem:s16], $0x2710  }
0x72: {  	_ =	swait.ge [sflag:s17], $0x2710  }
0x73: {  	[sflag:s17] =	ssyncset.done $0x0  }
0x74: {  	[sflag:s17] =	ssyncadd.s32 $0xFFFFD8F0  }
0x75: {  	_ =	sfence.sel $0x180000  }
0x76: {  	[bflag:$0x0] =	sbarrier.arrive $0xFFFF  }
0x77: {  	p0 =	sne.s32 s0, $0x0;
	_ =	strace $0x9000004A  }
0x78: {  	s0 =	sadd.s32 @!p0 $0x100000, s2;
	[bflag:$0x2] =	sbarrier.arrive $0xFFFF  }
0x79: {  	[sflag:s0] =	ssyncadd.tile.s32 @!p0 $0x1;
	_ =	shalt  }
.Lfunc_end2:
_tile_overlayer_lowered:
.L_overlay_start_2:
0x7a: {  	(tag) =	ssettag $0x2  }
0x7b: {  	s0 =	rddreg [dreg:$0x0];
	s2 =	stileid.u32  }
0x7c: {  	s1 =	rddreg [dreg:$0x1];
	p0 =	sne.s32 s2, $0x0  }
0x7d: {  	s3 =	rddreg [dreg:$0x2];
	[bflag:$0x3] =	sbarrier.arrive $0xFFFF;
	s2 =	simm.s32 @!p0 $0x1C05  }
0x7e: {  	[timem:s3], [sflag:s2] =	dma.local @!p0 [hbm:s0], s1  }
0x7f: {  	s0 =	simm.s32 @!p0 $0x5  }
0x80: {  	_ =	swait.ge @!p0 [sflag:s0], s1  }
0x81: {  	s1 =	ssub.s32 @!p0 $0x0, s1;
	[sflag:s0] =	ssyncset.done @!p0 $0x0  }
0x82: {  	[sflag:s0] =	ssyncadd.s32 @!p0 s1  }
0x83: {  	[bflag:$0x3] =	sbarrier.arrive $0xFFFF  }
0x84: {  	_ =	shalt  }

// kernel: kernel.7.cloned.1.call-start
scs
__scs_entry_jumppad:
0x0: {  	(pc) =	sbr.rel $0x88, $3  }
0x1: {  	(tag) =	ssettag $0x0;
	lr =	simm.s32 $0x1  }
0x2: {  	[smem:$0x3F99] =	sst lr;
	_ =	strace $0xD0000000  }
0x3: {  	_ = 	snop  }
0x4: {  	_ = 	snop  }
0x5: {  	_ = 	snop  }
0x6: {  	_ = 	snop  }
0x7: {  	_ = 	snop  }
__scs_overlays_trampoline_lowered:
0x8: {  	[smem:$0x3FA8] =	sst s0  }
0x9: {  	[smem:$0x3FA9] =	sst s1  }
0xa: {  	[smem:$0x3FAA] =	sst s2  }
0xb: {  	[smem:$0x3FAB] =	sst s3  }
0xc: {  	[smem:$0x3FAC] =	sst s4  }
0xd: {  	[smem:$0x3FAD] =	sst s5  }
0xe: {  	[smem:$0x3FAE] =	sst s6  }
0xf: {  	[smem:$0x3FAF] =	sst s7  }
0x10: {  	[smem:$0x3FB0] =	sst s8  }
0x11: {  	[smem:$0x3FB1] =	sst s9;
	s0 =	simm.s32 @!p0 $0x0  }
0x12: {  	s1 =	sld [smem:$0x3F97];
	s0 =	simm.s32 @p0 $0x1  }
0x13: {  	[smem:$0x3FB2] =	sst s0;
	s0 =	simm.s32 @!p1 $0x0  }
0x14: {  	s2 =	sld [smem:$0x3F96];
	s0 =	simm.s32 @p1 $0x1  }
0x15: {  	[smem:$0x3FB3] =	sst s0;
	s0 =	simm.s32 @!p2 $0x0  }
0x16: {  	s3 =	sld [smem:$0x3FDB];
	s0 =	simm.s32 @p2 $0x1  }
0x17: {  	s4 =	simm.s32 $0x1BF5;
	[smem:$0x3FB5] =	sst s0  }
0x18: {  	s0 =	sld [smem:$0x3F98];
	_ =	swait.ge [sflag:s4], $0x0  }
0x19: {  	s7 =	sld [smem:$0x3F99]  }
0x1a: {  	s8 =	sadd.s32 $0xFFFFE003, lr  }
0x1b: {  	s9 =	sadd.s32 $0xFFFFFEF7, lr;
	s5 =	simm.s32 $0xFFFFFFFF;
	p2 =	slt.u32 s8, $0xFFFFF086  }
0x1c: {  	p1 =	slt.u32 s9, $0xF7A;
	s5 =	simm.s32 @!p2 $0x0  }
0x1d: {  	s5 =	simm.s32 @p1 $0x1;
	p0 =	seq.s32 s7, s2  }
0x1e: {  	s7 =	smul.u32 @!p0 $0xF7A, s2;
	p2 =	seq.s32 @!p0 s5, $0x0  }
0x1f: {  	s9 =	smul.u32 $0xF7A, s1;
	s8 =	simm.s32 @!p0 $0x1BF5;
	p2 =	por !p2, p0  }
0x20: {  	[sflag:s8] =	ssyncset.s32 @!p0 $0xFFFFF086;
	s6 =	sadd.s32 @!p0 s3, s7;
	s7 =	simm.s32 @!p0 $0x108  }
0x21: {  	s3 =	sadd.s32 s3, s9;
	s6 =	sadd.s32 @!p0 $0x88, s6;
	s7 =	simm.s32 @p2 $0x1082  }
0x22: {  	[simem:s7], [sflag:s8] =	dma.local @!p0 [hbm:s6], $0xF7A  }
0x23: {  	s9 =	sor.u32 $0xD0000000, s2;
	s6 =	simm.s32 $0x108;
	_ =	swait.ge @!p0 [sflag:s8], $0x0  }
0x24: {  	s3 =	sadd.s32 $0x88, s3;
	s6 =	simm.s32 @!p1 $0x1082;
	[sflag:s4] =	ssyncset.s32 $0xFFFFF086  }
0x25: {  	[simem:s6], [sflag:s4] =	dma.local [hbm:s3], $0xF7A  }
0x26: {  	[smem:$0x3F99] =	sst s1;
	(tag) =	ssettag s2;
	_ =	strace s9  }
0x27: {  	s1 =	sld [smem:$0x3FA9]  }
0x28: {  	s2 =	sld [smem:$0x3FAA]  }
0x29: {  	s4 =	sld [smem:$0x3FAC]  }
0x2a: {  	p0 =	seq.s32 s5, $0x0;
	s5 =	sld [smem:$0x3FAD]  }
0x2b: {  	s6 =	sld [smem:$0x3FAE]  }
0x2c: {  	s7 =	sld [smem:$0x3FAF]  }
0x2d: {  	s3 =	simm.s32 $0x108;
	s8 =	sld [smem:$0x3FB0]  }
0x2e: {  	s3 =	simm.s32 @!p0 $0x1082;
	s9 =	sld [smem:$0x3FB1]  }
0x2f: {  	lr =	sadd.s32 s0, s3;
	s0 =	sld [smem:$0x3FA8]  }
0x30: {  	s3 =	sld [smem:$0x3FAB]  }
0x31: {  	[smem:$0x3FB4] =	sst s10  }
0x32: {  	s10 =	sld [smem:$0x3FB2];
	_ =	sdelay $0x3  }
0x33: {  	p0 =	seq.s32 s10, $0x1;
	s10 =	sld [smem:$0x3FB4];
	_ =	sdelay $0x3  }
0x34: {  	[smem:$0x3FB4] =	sst s10  }
0x35: {  	s10 =	sld [smem:$0x3FB3];
	_ =	sdelay $0x3  }
0x36: {  	p1 =	seq.s32 s10, $0x1;
	s10 =	sld [smem:$0x3FB4];
	_ =	sdelay $0x3  }
0x37: {  	[smem:$0x3FB4] =	sst s10  }
0x38: {  	s10 =	sld [smem:$0x3FB5]  }
0x39: {  	_ = 	snop;
	(pc) =	sbr.ind lr, $3  }
0x3a: {  	_ = 	snop  }
0x3b: {  	_ = 	snop  }
0x3c: {  	p2 =	seq.s32 s10, $0x1;
	s10 =	sld [smem:$0x3FB4]  }
0x3d: {  	_ =	shalt  }
0x3e: {  	_ =	shalt  }
0x3f: {  	_ =	shalt  }
0x40: {  	_ =	shalt  }
0x41: {  	_ =	shalt  }
0x42: {  	_ =	shalt  }
0x43: {  	_ =	shalt  }
0x44: {  	_ =	shalt  }
0x45: {  	_ =	shalt  }
0x46: {  	_ =	shalt  }
0x47: {  	_ =	shalt  }
0x48: {  	_ =	shalt  }
0x49: {  	_ =	shalt  }
0x4a: {  	_ =	shalt  }
0x4b: {  	_ =	shalt  }
0x4c: {  	_ =	shalt  }
0x4d: {  	_ =	shalt  }
0x4e: {  	_ =	shalt  }
0x4f: {  	_ =	shalt  }
0x50: {  	_ =	shalt  }
0x51: {  	_ =	shalt  }
0x52: {  	_ =	shalt  }
0x53: {  	_ =	shalt  }
0x54: {  	_ =	shalt  }
0x55: {  	_ =	shalt  }
0x56: {  	_ =	shalt  }
0x57: {  	_ =	shalt  }
0x58: {  	_ =	shalt  }
0x59: {  	_ =	shalt  }
0x5a: {  	_ =	shalt  }
0x5b: {  	_ =	shalt  }
0x5c: {  	_ =	shalt  }
0x5d: {  	_ =	shalt  }
0x5e: {  	_ =	shalt  }
0x5f: {  	_ =	shalt  }
0x60: {  	_ =	shalt  }
0x61: {  	_ =	shalt  }
0x62: {  	_ =	shalt  }
0x63: {  	_ =	shalt  }
0x64: {  	_ =	shalt  }
0x65: {  	_ =	shalt  }
0x66: {  	_ =	shalt  }
0x67: {  	_ =	shalt  }
0x68: {  	_ =	shalt  }
0x69: {  	_ =	shalt  }
0x6a: {  	_ =	shalt  }
0x6b: {  	_ =	shalt  }
0x6c: {  	_ =	shalt  }
0x6d: {  	_ =	shalt  }
0x6e: {  	_ =	shalt  }
0x6f: {  	_ =	shalt  }
0x70: {  	_ =	shalt  }
0x71: {  	_ =	shalt  }
0x72: {  	_ =	shalt  }
0x73: {  	_ =	shalt  }
0x74: {  	_ =	shalt  }
0x75: {  	_ =	shalt  }
0x76: {  	_ =	shalt  }
0x77: {  	_ =	shalt  }
0x78: {  	_ =	shalt  }
0x79: {  	_ =	shalt  }
0x7a: {  	_ =	shalt  }
0x7b: {  	_ =	shalt  }
0x7c: {  	_ =	shalt  }
0x7d: {  	_ =	shalt  }
0x7e: {  	_ =	shalt  }
0x7f: {  	_ =	shalt  }
0x80: {  	_ =	shalt  }
0x81: {  	_ =	shalt  }
0x82: {  	_ =	shalt  }
0x83: {  	_ =	shalt  }
0x84: {  	_ =	shalt  }
0x85: {  	_ =	shalt  }
0x86: {  	_ =	shalt  }
0x87: {  	_ =	shalt  }
.Lfunc_end0:
.L_simem_size_0:
called_computation_lowered:
.L_overlay_start_0:
0x88: {  	s2 =	sld [smem:$0x3FD9]  }
0x89: {  	s3 =	sld [smem:$0x3FFE];
	_ =	sdelay $0x1  }
0x8a: {  	s1 =	srdreg.scid  }
0x8b: {  	s0 =	sand.u32 $0x1, s1  }
0x8c: {  	s17 =	sshll.u32 s0, $0xA;
	s2 =	sadd.s32 s3, s2  }
0x8d: {  	s2 =	sadd.s32 s2, s17  }
0x8e: {  	[smem:$0x3FC0] =	sst s2  }
0x8f: {  	_ = 	snop  }
0x90: {  	s2 =	sld [smem:$0x3FD0];
	(tm) =	ssettm $0x1  }
0x91: {  	s18 =	sld [smem:$0x3FFB];
	_ =	sdelay $0x3  }
0x92: {  	_ =	strace s18  }
0x93: {  	s3 =	sld [smem:$0x3FFC];
	_ =	sdelay $0x3  }
0x94: {  	_ =	strace s3  }
0x95: {  	s3 =	sld [smem:$0x3FFD];
	_ =	sdelay $0x3  }
0x96: {  	_ =	strace s3  }
0x97: {  	_ =	strace $0x8FFFFFFF  }
0x98: {  	s19 =	sld [smem:$0x3FDB];
	_ =	sdelay $0x1  }
0x99: {  	s4 =	simm.s32 $_scs_section_size  }
0x9a: {  	s5 =	simm.s32 $_size__tile_overlayer_lowered;
	s6 =	simm.s32 $_tile_overlayer_lowered  }
0x9b: {  	s22 =	simm.s32 $0x1BFF;
	s21 =	sshll.u32 s6, $0x1;
	s3 =	sadd.s32 s4, s19  }
0x9c: {  	s7 =	simm.s32 $0x0;
	s20 =	sshll.u32 s5, $0x1;
	s5 =	sadd.s32 s21, s3  }
0x9d: {  	[timem:s7], [sflag:s22] =	dma.local [hbm:s5], s20  }
0x9e: {  	_ =	swait.ge [sflag:s22], s20  }
0x9f: {  	s4 =	ssub.s32 $0x0, s20;
	[sflag:s22] =	ssyncset.done $0x0  }
0xa0: {  	[sflag:s22] =	ssyncadd.s32 s4;
	_ =	sdelay $0x1  }
0xa1: {  	s23 =	simm.s32 $0x1B8B  }
0xa2: {  	_ =	swait.ge [sflag:s23], $0x1  }
0xa3: {  	[sflag:s23] =	ssyncset.done $0x0  }
0xa4: {  	s25 =	simm.s32 $0x1B8E;
	s24 =	sld [smem:$0x3FFE];
	[sflag:s23] =	ssyncadd.s32 $0xFFFFFFFF  }
0xa5: {  	s26 =	simm.s32 $execute0_lowered;
	[smem:$0x3FD2] =	sst s25  }
0xa6: {  	s5 =	sshll.u32 s26, $0x1;
	_ =	strace $0x80000046;
	[dreg:$0x1] =	wrdreg $0xFFFFFFFF  }
0xa7: {  	s28 =	simm.s32 $_size_execute0_lowered;
	s3 =	sadd.s32 s3, s5;
	[dreg:$0x0] =	wrdreg $0x0  }
0xa8: {  	s5 =	sshll.u32 s28, $0x1;
	[dreg:$0x2] =	wrdreg s3  }
0xa9: {  	[dreg:$0x3] =	wrdreg s5  }
0xaa: {  	[dreg:$0x4] =	wrdreg $0xC0  }
0xab: {  	_ =	task [dreg:s7], $0x5FFFF  }
0xac: {  	[dreg:$0x1] =	wrdreg $0xFFFFFFFF  }
0xad: {  	[dreg:$0x0] =	wrdreg $0x60  }
0xae: {  	[dreg:$0x2] =	wrdreg s24  }
0xaf: {  	[dreg:$0x3] =	wrdreg s2  }
0xb0: {  	[dreg:$0x4] =	wrdreg $0x5B400  }
0xb1: {  	[dreg:$0x5] =	wrdreg $0x9  }
0xb2: {  	_ =	task.clear_ibuf [dreg:s7], $0x6FFFF;
	_ =	strace $0x90000046  }
0xb3: {  	s29 =	simm.s32 $0x9;
	_ =	strace $0x80000048  }
0xb4: {  	_ =	swait.ge [sflag:s29], $0x1  }
0xb5: {  	[sflag:s29] =	ssyncadd.s32 $0xFFFFFFFF  }
0xb6: {  	_ =	strace $0x90000048  }
0xb7: {  	_ =	sfence  }
0xb8: {  	s30 =	sld [smem:$0x0];
	_ =	sdelay $0x2  }
0xb9: {  	s31 =	sshll.u32 s1, $0xD;
	s1 =	sshrl.u32 s1, $0x2  }
0xba: {  	s3 =	sand.u32 $0x4000, s31;
	s1 =	sadd.s32 s1, s30  }
0xbb: {  	s0 =	sor.u32 s3, s0;
	s1 =	sshll.u32 s1, $0x11  }
0xbc: {  	s0 =	sor.u32 s1, s0  }
0xbd: {  	s0 =	sadd.s32 $0x8F2B, s0  }
0xbe: {  	[sflag:s0] =	ssyncadd.remote.s32 $0x1  }
0xbf: {  	_ =	sfence.sel $0xFFFF  }
0xc0: {  	[dreg:$0x0] =	wrdreg $0xFFFFFFFF;
	(pc) =	sbr.abs _section_cstart, $3  }
0xc1: {  	[dreg:$0x1] =	wrdreg $0xFFFFFFFF  }
0xc2: {  	_ =	task.clear_ibuf [dreg:s7], $0x2FFFF;
	_ =	strace $0x9FFFFFFF  }
0xc3: {  	(tm) =	ssettm $0x7FFFFFFF  }
tec
execute0_lowered:
.L_overlay_start_1:
0x0: {  	(tag) =	ssettag $0x1  }
0x1: {  	s6 =	rddreg [dreg:$0x0]  }
0x2: {  	s0 =	stileid.u32;
	s2 =	rddreg [dreg:$0x1]  }
0x3: {  	s1 =	srdreg.scid;
	s3 =	rddreg [dreg:$0x2]  }
0x4: {  	s4 =	simm.s32 $0x0;
	s18 =	simm.s32 $0x3;
	s8 =	smul.u32 $0x15F90, s0  }
0x5: {  	s19 =	simm.s32 $0x50;
	s20 =	simm.s32 $0x140;
	s11 =	smul.u32 $0x7D, s0  }
0x6: {  	s7 =	sand.u32 $0x1, s1;
	s1 =	rddreg [dreg:$0x3];
	s29 =	smul.u32 $0x4E20, s0  }
0x7: {  	s21 =	simm.s32 $0x4;
	[smem:$0x7FF] =	sst s4;
	s9 =	smul.u32 $0x15F900, s7  }
0x8: {  	s5 =	sadd.s32 $0x4F600, s6;
	s30 =	sshll.u32 s0, $0x6;
	s10 =	smul.u32 $0x7D0, s7  }
0x9: {  	_ =	strace $0x80000047;
	s24 =	ssub.s32 $0x2, s7;
	s26 =	smul.u32 $0x4E200, s7  }
0xa: {  	s22 =	sshrl.u32 s8, $0x3;
	s28 =	sshrl.u32 s24, $0x1;
	s16 =	sadd.s32 s8, s3  }
0xb: {  	s9 =	sadd.s32 s8, s9;
	s10 =	sadd.s32 s11, s10;
	s11 =	sadd.s32 s22, s6  }
0xc: {  	s15 =	ssub.s32 s24, s28;
	s17 =	sadd.s32 s29, s26;
	s16 =	sshrl.u32 s16, $0x3  }
0xd: {  	s22 =	simm.s32 $0x2E40;
	s24 =	simm.s32 $0x2;
	s12 =	smul.u32 $0xA0, s10  }
0xe: {  	s26 =	simm.s32 $0x0;
	s9 =	sshrl.u32 s9, $0x3;
	s23 =	smul.u32 $0x14, s10  }
0xf: {  	s8 =	sadd.s32 $0x1400, s11;
	s11 =	smax.u32 s15, $0x1;
	s15 =	simm.s32 $0xA0  }
0x10: {  	s13 =	sadd.s32 s9, s6;
	s9 =	sor.u32 $0x1C05, s30;
	s25 =	sshrl.u32 s12, $0x3  }
0x11: {  	s6 =	sadd.s32 s2, s23;
	s12 =	sadd.s32 $0x1E0, s17;
	s10 =	sadd.s32 $0x7B600, s13  }
0x12: {  	s23 =	simm.s32 $0x1;
	s14 =	sadd.s32 s2, s25;
	s31 =	sshrl.u32 s12, $0x3  }
0x13: {  	s25 =	simm.s32 $0xF0;
	s7 =	sadd.s32 $0x14, s14;
	s12 =	sadd.s32 $0x9B0, s14  }
0x14: {  	s13 =	sadd.s32 s31, s2;
	s14 =	sadd.s32 $0x140, s17;
	s17 =	simm.s32 $0x5  }
.LBB2_1:
0x15: {  	[tilespmem:s4], [sflag:$0x3] =	stream.linear.gather [hbm4b:s6+s4], $0xA0, $0x38;
	[tilespmem:$0x1BAD0] =	vst v63  }
0x16: {  	_ = 	snop  }
0x17: {  	[tilespmem:s15], [sflag:$0x4] =	stream.linear.gather [hbm4b:s7+s4], $0xA0, $0x38;
	[tilespmem:$0x1BAD0] =	vst v63  }
0x18: {  	[spmem:s16], [sflag:s9] =	dma.local [hbm:s8], $0x2BF2  }
0x19: {  	_ =	swait.ge [sflag:s17], $0x2BF2  }
0x1a: {  	[sflag:s17] =	ssyncset.done $0x0  }
0x1b: {  	[sflag:s17] =	ssyncadd.s32 $0xFFFFD40E  }
0x1c: {  	[bflag:$0x0] =	sbarrier.arrive $0xFFFF  }
0x1d: {  	_ =	swait.ge [sflag:s18], $0xA0  }
0x1e: {  	[sflag:s18] =	ssyncset.done $0x0  }
0x1f: {  	[sflag:s18] =	ssyncadd.s32 $0xFFFFFF60  }
0x20: {  	[tilespmem:s20], [sflag:$0x1] =	stream.indirect.gather [hbm4b:s5+s19], $0x90, s4, s19, $0xb8;
	[tilespmem:$0x1BAD0] =	vst v63  }
0x21: {  	_ =	swait.ge [sflag:s21], $0xA0  }
0x22: {  	[sflag:s21] =	ssyncset.done $0x0  }
0x23: {  	[sflag:s21] =	ssyncadd.s32 $0xFFFFFF60  }
0x24: {  	[tilespmem:s22], [sflag:$0x2] =	stream.indirect.gather [hbm4b:s5+s19], $0x90, s15, s19, $0xb8;
	[tilespmem:$0x1BAD0] =	vst v63  }
0x25: {  	_ =	swait.ge [sflag:s23], $0x2D00  }
0x26: {  	[sflag:s23] =	ssyncset.done $0x0  }
0x27: {  	[sflag:s23] =	ssyncadd.s32 $0xFFFFD300  }
0x28: {  	[spmem:s3] =	stream.indirect.scatter.add.f32 [tilespmem:s20], [sflag:$0x5], $0x90, s19, s19, $0xb8;
	[tilespmem:$0x1BAD0] =	vst v63  }
0x29: {  	_ =	swait.ge [sflag:s17], $0x2D00  }
0x2a: {  	s28 =	sshrl.u32 s14, $0x3;
	[sflag:s17] =	ssyncset.done $0x0  }
0x2b: {  	s28 =	sadd.s32 s2, s28;
	[sflag:s17] =	ssyncadd.s32 $0xFFFFD300  }
0x2c: {  	[tilespmem:s4], [sflag:$0x3] =	stream.linear.gather [hbm4b:s28+s4], $0xA0, $0x38;
	[tilespmem:$0x1BAD0] =	vst v63  }
0x2d: {  	_ =	swait.ge [sflag:s18], $0xA0  }
0x2e: {  	[sflag:s18] =	ssyncset.done $0x0  }
0x2f: {  	[sflag:s18] =	ssyncadd.s32 $0xFFFFFF60  }
0x30: {  	[tilespmem:s20], [sflag:$0x1] =	stream.indirect.gather [hbm4b:s5+s19], $0x90, s4, s19, $0xb8;
	[tilespmem:$0x1BAD0] =	vst v63  }
0x31: {  	_ =	swait.ge [sflag:s24], $0x2D00  }
0x32: {  	[sflag:s24] =	ssyncset.done $0x0  }
0x33: {  	[sflag:s24] =	ssyncadd.s32 $0xFFFFD300  }
0x34: {  	[spmem:s3] =	stream.indirect.scatter.add.f32 [tilespmem:s22], [sflag:$0x5], $0x90, s25, s19, $0xb8;
	[tilespmem:$0x1BAD0] =	vst v63  }
0x35: {  	_ =	swait.ge [sflag:s17], $0x2D00  }
0x36: {  	s30 =	sadd.s32 $0x0, s13;
	[sflag:s17] =	ssyncset.done $0x0  }
0x37: {  	s29 =	sadd.s32 $0x140, s14;
	s28 =	simm.s32 $0x28;
	[sflag:s17] =	ssyncadd.s32 $0xFFFFD300  }
.LBB2_2:
0x38: {  	[tilespmem:s15], [sflag:$0x4] =	stream.linear.gather [hbm4b:s30+s4], $0xA0, $0x38;
	[tilespmem:$0x1BAD0] =	vst v63  }
0x39: {  	s30 =	smov.u32 s28  }
0x3a: {  	p0 =	sne.s32 s28, $0x960;
	s28 =	sadd.s32 $0x28, s28;
	_ =	swait.ge [sflag:s21], $0xA0  }
0x3b: {  	[sflag:s21] =	ssyncset.done $0x0  }
0x3c: {  	[sflag:s21] =	ssyncadd.s32 $0xFFFFFF60  }
0x3d: {  	[tilespmem:s22], [sflag:$0x2] =	stream.indirect.gather [hbm4b:s5+s19], $0x90, s15, s19, $0xb8;
	[tilespmem:$0x1BAD0] =	vst v63  }
0x3e: {  	_ =	swait.ge [sflag:s23], $0x2D00  }
0x3f: {  	[sflag:s23] =	ssyncset.done $0x0  }
0x40: {  	[sflag:s23] =	ssyncadd.s32 $0xFFFFD300  }
0x41: {  	[spmem:s3] =	stream.indirect.scatter.add.f32 [tilespmem:s20], [sflag:$0x5], $0x90, s19, s19, $0xb8;
	[tilespmem:$0x1BAD0] =	vst v63  }
0x42: {  	_ =	swait.ge [sflag:s17], $0x2D00  }
0x43: {  	s31 =	sshrl.u32 s29, $0x3;
	[sflag:s17] =	ssyncset.done $0x0  }
0x44: {  	s31 =	sadd.s32 s2, s31;
	[sflag:s17] =	ssyncadd.s32 $0xFFFFD300  }
0x45: {  	[tilespmem:s4], [sflag:$0x3] =	stream.linear.gather [hbm4b:s31+s4], $0xA0, $0x38;
	[tilespmem:$0x1BAD0] =	vst v63  }
0x46: {  	_ =	swait.ge [sflag:s18], $0xA0  }
0x47: {  	[sflag:s18] =	ssyncset.done $0x0  }
0x48: {  	[sflag:s18] =	ssyncadd.s32 $0xFFFFFF60  }
0x49: {  	[tilespmem:s20], [sflag:$0x1] =	stream.indirect.gather [hbm4b:s5+s19], $0x90, s4, s19, $0xb8;
	[tilespmem:$0x1BAD0] =	vst v63  }
0x4a: {  	_ =	swait.ge [sflag:s24], $0x2D00  }
0x4b: {  	[sflag:s24] =	ssyncset.done $0x0  }
.Ltmp0:
0x4c: {  	[sflag:s24] =	ssyncadd.s32 $0xFFFFD300;
	(pc) =	sbr.rel @p0 .LBB2_2-.Ltmp0, $4  }
0x4d: {  	[spmem:s3] =	stream.indirect.scatter.add.f32 [tilespmem:s22], [sflag:$0x5], $0x90, s25, s19, $0xb8;
	[tilespmem:$0x1BAD0] =	vst v63  }
0x4e: {  	_ =	swait.ge [sflag:s17], $0x2D00  }
0x4f: {  	[sflag:s17] =	ssyncset.done $0x0  }
0x50: {  	s29 =	sadd.s32 $0x140, s29;
	s30 =	sadd.s32 s30, s13;
	[sflag:s17] =	ssyncadd.s32 $0xFFFFD300  }
0x51: {  	[tilespmem:s15], [sflag:$0x4] =	stream.linear.gather [hbm4b:s30+s4], $0xA0, $0x38;
	[tilespmem:$0x1BAD0] =	vst v63  }
0x52: {  	_ =	swait.ge [sflag:s21], $0xA0  }
0x53: {  	[sflag:s21] =	ssyncset.done $0x0  }
0x54: {  	[sflag:s21] =	ssyncadd.s32 $0xFFFFFF60  }
0x55: {  	[tilespmem:s22], [sflag:$0x2] =	stream.indirect.gather [hbm4b:s5+s19], $0x90, s15, s19, $0xb8;
	[tilespmem:$0x1BAD0] =	vst v63  }
0x56: {  	_ =	swait.ge [sflag:s23], $0x2D00  }
0x57: {  	[sflag:s23] =	ssyncset.done $0x0  }
0x58: {  	[sflag:s23] =	ssyncadd.s32 $0xFFFFD300  }
0x59: {  	[spmem:s3] =	stream.indirect.scatter.add.f32 [tilespmem:s20], [sflag:$0x5], $0x90, s19, s19, $0xb8;
	[tilespmem:$0x1BAD0] =	vst v63  }
0x5a: {  	_ =	swait.ge [sflag:s17], $0x2D00  }
0x5b: {  	[sflag:s17] =	ssyncset.done $0x0  }
0x5c: {  	[sflag:s17] =	ssyncadd.s32 $0xFFFFD300  }
0x5d: {  	[tilespmem:s4], [sflag:$0x3] =	stream.linear.gather [hbm4b:s12+s4], $0xA0, $0x38;
	[tilespmem:$0x1BAD0] =	vst v63  }
0x5e: {  	_ =	swait.ge [sflag:s18], $0xA0  }
0x5f: {  	[sflag:s18] =	ssyncset.done $0x0  }
0x60: {  	[sflag:s18] =	ssyncadd.s32 $0xFFFFFF60  }
0x61: {  	[tilespmem:s20], [sflag:$0x1] =	stream.indirect.gather [hbm4b:s5+s19], $0x90, s4, s19, $0xb8;
	[tilespmem:$0x1BAD0] =	vst v63  }
0x62: {  	_ =	swait.ge [sflag:s24], $0x2D00  }
0x63: {  	[sflag:s24] =	ssyncset.done $0x0  }
0x64: {  	[sflag:s24] =	ssyncadd.s32 $0xFFFFD300  }
0x65: {  	[spmem:s3] =	stream.indirect.scatter.add.f32 [tilespmem:s22], [sflag:$0x5], $0x90, s25, s19, $0xb8;
	[tilespmem:$0x1BAD0] =	vst v63  }
0x66: {  	_ =	swait.ge [sflag:s17], $0x2D00  }
0x67: {  	[sflag:s17] =	ssyncset.done $0x0  }
0x68: {  	[sflag:s17] =	ssyncadd.s32 $0xFFFFD300  }
0x69: {  	_ =	swait.ge [sflag:s23], $0x2D00  }
0x6a: {  	[sflag:s23] =	ssyncset.done $0x0  }
0x6b: {  	[sflag:s23] =	ssyncadd.s32 $0xFFFFD300  }
0x6c: {  	[spmem:s3] =	stream.indirect.scatter.add.f32 [tilespmem:s20], [sflag:$0x5], $0x90, s19, s19, $0xb8;
	[tilespmem:$0x1BAD0] =	vst v63  }
0x6d: {  	_ =	swait.ge [sflag:s17], $0x2D00  }
0x6e: {  	s26 =	sadd.s32 $0x1, s26;
	[sflag:s17] =	ssyncset.done $0x0  }
0x6f: {  	p0 =	sne.s32 s26, s11;
	[sflag:s17] =	ssyncadd.s32 $0xFFFFD300  }
.Ltmp1:
0x70: {  	[bflag:$0x0] =	sbarrier.arrive $0xFFFF;
	(pc) =	sbr.rel @p0 .LBB2_1-.Ltmp1, $4  }
0x71: {  	[hbm:s10], [sflag:s9] =	dma.local [spmem:s16], $0x2BF2  }
0x72: {  	_ =	swait.ge [sflag:s17], $0x2BF2  }
0x73: {  	[sflag:s17] =	ssyncset.done $0x0  }
0x74: {  	[sflag:s17] =	ssyncadd.s32 $0xFFFFD40E  }
0x75: {  	_ =	sfence.sel $0x180000  }
0x76: {  	[bflag:$0x0] =	sbarrier.arrive $0xFFFF  }
0x77: {  	p0 =	sne.s32 s0, $0x0;
	_ =	strace $0x90000047  }
0x78: {  	s0 =	sadd.s32 @!p0 $0x100000, s1;
	[bflag:$0x2] =	sbarrier.arrive $0xFFFF  }
0x79: {  	[sflag:s0] =	ssyncadd.tile.s32 @!p0 $0x1;
	_ =	shalt  }
.Lfunc_end2:
_tile_overlayer_lowered:
.L_overlay_start_2:
0x7a: {  	(tag) =	ssettag $0x2  }
0x7b: {  	s0 =	rddreg [dreg:$0x0];
	s2 =	stileid.u32  }
0x7c: {  	s1 =	rddreg [dreg:$0x1];
	p0 =	sne.s32 s2, $0x0  }
0x7d: {  	s3 =	rddreg [dreg:$0x2];
	[bflag:$0x3] =	sbarrier.arrive $0xFFFF;
	s2 =	simm.s32 @!p0 $0x1C05  }
0x7e: {  	[timem:s3], [sflag:s2] =	dma.local @!p0 [hbm:s0], s1  }
0x7f: {  	s0 =	simm.s32 @!p0 $0x5  }
0x80: {  	_ =	swait.ge @!p0 [sflag:s0], s1  }
0x81: {  	s1 =	ssub.s32 @!p0 $0x0, s1;
	[sflag:s0] =	ssyncset.done @!p0 $0x0  }
0x82: {  	[sflag:s0] =	ssyncadd.s32 @!p0 s1  }
0x83: {  	[bflag:$0x3] =	sbarrier.arrive $0xFFFF  }
0x84: {  	_ =	shalt  }

</sc_bundles>
